<compile_context>
chip_gen: v7x
topology: tpu7x:2x2x1
jax: 0.10.2.dev20260603
libtpu: 0.0.44.dev20260713+nightly
codegen_flags: <defaults>
</compile_context>

<pallas_src>
import functools
import math

import jax
import jax.numpy as jnp
from jax import lax
from jax.experimental import pallas as pl
from jax.experimental.pallas import tpu as pltpu
from jax.experimental.pallas import tpu_sc as plsc

_RC = 5.0
_W = 1.0
_BL0 = 2.35
_BL1 = 1.54
_EQ_ORB = (1.0, 0.0, 1.0, 1.0)

_NC = 2
_NS = 16
_NW = _NC * _NS

_RUNS_PER_CHUNK = 25
_EDGES_PER_CHUNK = _RUNS_PER_CHUNK * 128
_IDX_PER_CHUNK = 2 * _EDGES_PER_CHUNK



def _sc_bonds(anum, idx_phys):
    n = anum.shape[0]
    total = idx_phys.shape[0]
    edges = total // 2
    n_chunks = edges // _EDGES_PER_CHUNK
    groups = _EDGES_PER_CHUNK // 16
    mesh = plsc.VectorSubcoreMesh(core_axis_name="c", subcore_axis_name="s")

    @functools.partial(
        pl.kernel,
        out_type=jax.ShapeDtypeStruct((edges,), jnp.int32),
        mesh=mesh,
        compiler_params=pltpu.CompilerParams(needs_layout_passes=False),
        scratch_types=[
            pltpu.VMEM((n,), jnp.int32),
            pltpu.VMEM((_IDX_PER_CHUNK,), jnp.int32),
            pltpu.VMEM((_EDGES_PER_CHUNK,), jnp.int32),
        ],
    )
    def k(anum_hbm, idx_hbm, out_hbm, anum_v, idx_v, bond_v):
        wid = lax.axis_index("s") * _NC + lax.axis_index("c")
        pltpu.sync_copy(anum_hbm, anum_v)
        c_lo = (n_chunks * wid) // _NW
        c_hi = (n_chunks * (wid + 1)) // _NW

        def chunk_body(c, carry):
            off_i = pl.multiple_of(c * _IDX_PER_CHUNK, 8)
            pltpu.sync_copy(idx_hbm.at[pl.ds(off_i, _IDX_PER_CHUNK)], idx_v)

            def grp(g, cc):
                base = ((g >> 3) << 8) + ((g & 7) << 4)
                si = idx_v[pl.ds(base, 16)]
                di = idx_v[pl.ds(base + 128, 16)]
                ti = plsc.load_gather(anum_v, [si])
                tj = plsc.load_gather(anum_v, [di])
                bond_v[pl.ds(g << 4, 16)] = (ti << 1) + tj
                return cc

            lax.fori_loop(0, groups, grp, 0)
            off_o = pl.multiple_of(c * _EDGES_PER_CHUNK, 8)
            pltpu.sync_copy(bond_v, out_hbm.at[pl.ds(off_o, _EDGES_PER_CHUNK)])
            return carry

        lax.fori_loop(c_lo, c_hi, chunk_body, 0)

    return k(anum, idx_phys)



def _edge_body(bond_ref, rij_ref, hp_ref, op_ref, feat_ref, ov_ref):
    bond = bond_ref[...]
    m0 = bond == 0
    m1 = bond == 1
    m2 = bond == 2
    rij = rij_ref[...]

    def sel(s0, s1, s2, s3):
        return jnp.where(m0, s0, jnp.where(m1, s1, jnp.where(m2, s2, s3)))

    lg00 = math.log(_BL0)
    lg01 = math.log(0.5 * (_BL0 + _BL1))
    lg11 = math.log(_BL1)
    lr = sel(lg00, lg01, lg01, lg11) - jnp.log(rij)
    fc = 1.0 / (1.0 + jnp.exp((rij - _RC + 5.0 * _W) / _W))
    eqfc = jnp.where(m0 | (bond == 3), fc, 0.0)

    def tab(ref, q, p, absval):
        vals = [ref[b, q, p] for b in range(4)]
        if absval:
            vals = [jnp.abs(v) for v in vals]
        return sel(*vals)

    for q in range(4):
        a1 = tab(hp_ref, q, 0, False)
        a2 = tab(hp_ref, q, 1, True)
        feat_ref[:, q * 128:(q + 1) * 128] = a1 * jnp.exp((1.0 + a2) * lr) * fc
        b1 = tab(op_ref, q, 0, False)
        b2 = tab(op_ref, q, 1, True)
        ovq = b1 * jnp.exp((1.0 + b2) * lr) * fc
        if _EQ_ORB[q] != 0.0:
            ovq = ovq + _EQ_ORB[q] * eqfc
        ov_ref[:, q * 128:(q + 1) * 128] = ovq


def _tc_edges(bond2, rij2, hp, op):
    rows = rij2.shape[0]
    blk = 1000
    grid = rows // blk
    tiny = pl.BlockSpec(None, lambda i: (0,) * 3)
    feat, ov = pl.pallas_call(
        _edge_body,
        grid=(grid,),
        in_specs=[
            pl.BlockSpec((blk, 128), lambda i: (i, 0)),
            pl.BlockSpec((blk, 128), lambda i: (i, 0)),
            tiny, tiny,
        ],
        out_specs=[
            pl.BlockSpec((blk, 512), lambda i: (i, 0)),
            pl.BlockSpec((blk, 512), lambda i: (i, 0)),
        ],
        out_shape=[
            jax.ShapeDtypeStruct((rows, 512), jnp.float32),
            jax.ShapeDtypeStruct((rows, 512), jnp.float32),
        ],
    )(bond2, rij2, hp, op)
    return feat, ov



def _node_body(t_ref, on0_ref, don_ref, s2_ref, out_ref):
    tf = t_ref[...].astype(jnp.float32)
    t2 = jnp.dot(tf, s2_ref[...], preferred_element_type=jnp.float32)
    out_ref[...] = on0_ref[0:1, :] + t2 * don_ref[0:1, :]


def _tc_nodes(t2d, on0, don, s2):
    rows = t2d.shape[0]
    return pl.pallas_call(
        _node_body,
        out_shape=jax.ShapeDtypeStruct((rows, 32), jnp.float32),
    )(t2d, on0, don, s2)



def kernel(atomic_numbers, edge_index, edge_length, hopping_param,
           overlap_param, onsite_param):
    n = atomic_numbers.shape[0]
    e = edge_index.shape[1]
    rows = e // 128

    idx_phys = edge_index.reshape(2, rows, 128).transpose(1, 0, 2).reshape(-1)
    bond = _sc_bonds(atomic_numbers, idx_phys)
    bond2 = bond.reshape(rows, 128)
    rij2 = edge_length.reshape(rows, 128)

    feat, ov = _tc_edges(bond2, rij2, hopping_param, overlap_param)
    edge_features = feat.reshape(rows, 4, 128).transpose(0, 2, 1).reshape(e, 4)
    edge_overlap = ov.reshape(rows, 4, 128).transpose(0, 2, 1).reshape(e, 4)

    lane32 = jnp.arange(32)
    s2 = (lane32[None, :] // 2 == jnp.arange(16)[:, None]).astype(jnp.float32)
    on0 = jnp.tile(onsite_param[0, :, 0], (16,))[None, :]
    don = jnp.tile(onsite_param[1, :, 0] - onsite_param[0, :, 0], (16,))[None, :]
    node_features = _tc_nodes(atomic_numbers.reshape(n // 16, 16), on0, don,
                              s2).reshape(n, 2)

    return edge_features, edge_overlap, node_features

# --- scband reference (transcript-rebuilt; emitter-appended) ---
"""Pipeline reference for scband-sktb-72868415144105 (READ-ONLY COPY).

The authoritative reference and input builder live on the scoring server;
editing this copy changes nothing except your own understanding.
"""

import jax, jax.numpy as jnp
import numpy as np

N_NODES = 100000
N_EDGES = 3200000
N_ATYPES = 2        # Si, C (encoded as type indices 0,1)
N_BTYPES = 4        # Si-Si, Si-C, C-Si, C-C (ordered pairs)
R_EDGE = 4          # edge_reduced_matrix_element: ss_sigma, sp_sigma, pp_sigma, pp_pi
R_NODE = 2          # node_reduced_matrix_element: s, p onsite energies
N_PARAS = 2         # powerlaw hopping: alpha (prefactor), beta (exponent)
RC = 5.0
W = 1.0

BOND_MAP = jnp.array([[0, 1], [2, 3]])                       # (type_i, type_j) -> bond type index
BOND_LENGTH = jnp.array([2.35, 1.54], dtype=jnp.float32)     # per-species reference bond length
EQUAL_ORBPAIR = jnp.array([1.0, 0.0, 1.0, 1.0], dtype=jnp.float32)  # same-orbital pairs for overlap const


def powerlaw_skhij(rij, paraArray, rcut, w, r0, paraconst=None):
    # rij: [E,1], paraArray: [E,R,P], r0: [E,1], paraconst: [E,R] or None
    alpha1 = paraArray[..., 0]
    alpha2 = jnp.abs(paraArray[..., 1])
    fc = 1.0 / (1.0 + jnp.exp((rij - rcut + 5.0 * w) / w))
    hij = alpha1 * (r0 / rij) ** (1.0 + alpha2) * fc
    if paraconst is not None:
        hij = hij + paraconst * fc
    return hij


def setup_inputs(seed: int = 0) -> dict:
    key = jax.random.key(seed)
    k1, k2, k3, k4, k5, k6 = jax.random.split(key, 6)
    atomic_numbers = jax.random.randint(k1, (N_NODES,), 0, N_ATYPES)
    edge_index = jax.random.randint(k2, (2, N_EDGES), 0, N_NODES)
    edge_length = jax.random.uniform(k3, (N_EDGES,), jnp.float32, 1.0, 5.0)
    hopping_param = jax.random.normal(k4, (N_BTYPES, R_EDGE, N_PARAS), dtype=jnp.float32)
    overlap_param = jax.random.normal(k5, (N_BTYPES, R_EDGE, N_PARAS), dtype=jnp.float32)
    onsite_param = jax.random.normal(k6, (N_ATYPES, R_NODE, 1), dtype=jnp.float32)
    return {
        'atomic_numbers': atomic_numbers,
        'edge_index': edge_index,
        'edge_length': edge_length,
        'hopping_param': hopping_param,
        'overlap_param': overlap_param,
        'onsite_param': onsite_param,
    }


def reference(atomic_numbers, edge_index, edge_length, hopping_param, overlap_param, onsite_param):
    # edge_type = atomic_numbers[edge_index.flatten()].view(2, -1)
    edge_type = jnp.take(atomic_numbers, edge_index.reshape(-1), axis=0).reshape(2, -1)
    # bond-type lookup (replaces the python-loop over bondtype_map)
    bond_idx = BOND_MAP[edge_type[0], edge_type[1]]                       # [E]
    # gather per-bond-type hopping parameters (embedding lookup)
    edge_params = jnp.take(hopping_param, bond_idx, axis=0)               # [E, R, P]
    # r0 = 0.5 * (bond_length[zi] + bond_length[zj])
    r0 = 0.5 * (jnp.take(BOND_LENGTH, edge_type[0]) + jnp.take(BOND_LENGTH, edge_type[1]))  # [E]
    rij = edge_length[:, None]                                            # [E,1] -> broadcast over R
    edge_features = powerlaw_skhij(rij, edge_params, RC, W, r0[:, None])  # [E, R]
    # overlap branch (module always executes it; requires overlap=True)
    ov_params = jnp.take(overlap_param, bond_idx, axis=0)                 # [E, R, P]
    paraconst = (edge_type[0] == edge_type[1]).astype(jnp.float32)[:, None] * EQUAL_ORBPAIR[None, :]
    edge_overlap = powerlaw_skhij(rij, ov_params, RC, W, r0[:, None], paraconst=paraconst)  # [E, R]
    # uniform onsite: gather onsite params per atom type
    node_features = jnp.take(onsite_param, atomic_numbers, axis=0)[..., 0]  # [N, R_NODE]
    return (edge_features, edge_overlap, node_features)

if __name__ == "__main__":
    import jax
    _d = setup_inputs()
    print(jax.jit(kernel)(*tuple(_d.values())))

</pallas_src>

<mosaic_0001>
#map = affine_map<(d0, d1) -> (0)>
module attributes {stable_mosaic.version = 14 : i64} {
  func.func @k(%arg0: i32, %arg1: i32, %arg2: memref<100000xi32, #tpu.memory_space<hbm>>, %arg3: memref<6400000xi32, #tpu.memory_space<hbm>>, %arg4: memref<3200000xi32, #tpu.memory_space<hbm>>, %arg5: memref<100000xi32, #tpu.memory_space<vmem>>, %arg6: memref<6400xi32, #tpu.memory_space<vmem>>, %arg7: memref<3200xi32, #tpu.memory_space<vmem>>) attributes {dimension_semantics = [#tpu.dimension_semantics<core_parallel>, #tpu.dimension_semantics<subcore_parallel>], iteration_bounds = array<i64: 2, 16>, scalar_prefetch = 0 : i64, scratch_operands = 3 : i64, tpu.core_type = #tpu.core_type<sc_vector_subcore>, window_params = [{transform_indices = #map}, {transform_indices = #map}, {transform_indices = #map}]} {
    %mul3A = arith.constant 2 : i32
    %mul3A_0 = arith.muli %arg1, %mul3A : i32
    %add3A = arith.addi %mul3A_0, %arg0 : i32
    "tpu.region"() ({
      %run_scoped3A = tpu.sem_alloc : memref<!tpu.dma_semaphore, #tpu.memory_space<semaphore_mem>>
      tpu.enqueue_dma source(%arg2 : memref<100000xi32, #tpu.memory_space<hbm>>) target(%arg5 : memref<100000xi32, #tpu.memory_space<vmem>>) target_semaphore(%run_scoped3A : memref<!tpu.dma_semaphore, #tpu.memory_space<semaphore_mem>>)
      tpu.wait_dma2 semaphore(%run_scoped3A : memref<!tpu.dma_semaphore, #tpu.memory_space<semaphore_mem>>) src(%arg2 : memref<100000xi32, #tpu.memory_space<hbm>>) dst(%arg5 : memref<100000xi32, #tpu.memory_space<vmem>>)
      tpu.yield
    }) : () -> ()
    %mul3A_1 = arith.constant 1000 : i32
    %mul3A_2 = arith.muli %mul3A_1, %add3A : i32
    %jit3A = arith.constant 32 : i32
    %div3A = arith.divsi %mul3A_2, %jit3A : i32
    %sign3A = arith.constant 0 : i32
    %sign3A_3 = arith.cmpi sgt, %mul3A_2, %sign3A : i32
    %sign3A_4 = arith.extui %sign3A_3 : i1 to i32
    %sign3A_5 = arith.constant 0 : i32
    %sign3A_6 = arith.cmpi slt, %mul3A_2, %sign3A_5 : i32
    %sign3A_7 = arith.extui %sign3A_6 : i1 to i32
    %sign3A_8 = arith.subi %sign3A_4, %sign3A_7 : i32
    %sign3A_9 = arith.constant 0 : i32
    %sign3A_10 = arith.cmpi sgt, %jit3A, %sign3A_9 : i32
    %sign3A_11 = arith.extui %sign3A_10 : i1 to i32
    %sign3A_12 = arith.constant 0 : i32
    %sign3A_13 = arith.cmpi slt, %jit3A, %sign3A_12 : i32
    %sign3A_14 = arith.extui %sign3A_13 : i1 to i32
    %sign3A_15 = arith.subi %sign3A_11, %sign3A_14 : i32
    %ne3A = arith.cmpi ne, %sign3A_8, %sign3A_15 : i32
    %rem3A = arith.remsi %mul3A_2, %jit3A : i32
    %ne3A_16 = arith.constant 0 : i32
    %ne3A_17 = arith.cmpi ne, %rem3A, %ne3A_16 : i32
    %and3A = arith.andi %ne3A, %ne3A_17 : i1
    %sub3A = arith.constant 1 : i32
    %sub3A_18 = arith.subi %div3A, %sub3A : i32
    %select_n3A = arith.select %and3A, %sub3A_18, %div3A : i32
    %add3A_19 = arith.constant 1 : i32
    %add3A_20 = arith.addi %add3A, %add3A_19 : i32
    %mul3A_21 = arith.constant 1000 : i32
    %mul3A_22 = arith.muli %mul3A_21, %add3A_20 : i32
    %jit3A_23 = arith.constant 32 : i32
    %div3A_24 = arith.divsi %mul3A_22, %jit3A_23 : i32
    %sign3A_25 = arith.constant 0 : i32
    %sign3A_26 = arith.cmpi sgt, %mul3A_22, %sign3A_25 : i32
    %sign3A_27 = arith.extui %sign3A_26 : i1 to i32
    %sign3A_28 = arith.constant 0 : i32
    %sign3A_29 = arith.cmpi slt, %mul3A_22, %sign3A_28 : i32
    %sign3A_30 = arith.extui %sign3A_29 : i1 to i32
    %sign3A_31 = arith.subi %sign3A_27, %sign3A_30 : i32
    %sign3A_32 = arith.constant 0 : i32
    %sign3A_33 = arith.cmpi sgt, %jit3A_23, %sign3A_32 : i32
    %sign3A_34 = arith.extui %sign3A_33 : i1 to i32
    %sign3A_35 = arith.constant 0 : i32
    %sign3A_36 = arith.cmpi slt, %jit3A_23, %sign3A_35 : i32
    %sign3A_37 = arith.extui %sign3A_36 : i1 to i32
    %sign3A_38 = arith.subi %sign3A_34, %sign3A_37 : i32
    %ne3A_39 = arith.cmpi ne, %sign3A_31, %sign3A_38 : i32
    %rem3A_40 = arith.remsi %mul3A_22, %jit3A_23 : i32
    %ne3A_41 = arith.constant 0 : i32
    %ne3A_42 = arith.cmpi ne, %rem3A_40, %ne3A_41 : i32
    %and3A_43 = arith.andi %ne3A_39, %ne3A_42 : i1
    %sub3A_44 = arith.constant 1 : i32
    %sub3A_45 = arith.subi %div3A_24, %sub3A_44 : i32
    %select_n3A_46 = arith.select %and3A_43, %sub3A_45, %div3A_24 : i32
    %while3A = arith.constant 0 : i32
    %while3A_47 = arith.subi %select_n3A_46, %select_n3A : i32
    %while3A_48 = arith.addi %select_n3A, %while3A_47 : i32
    %while3A_49 = arith.constant 1 : i32
    %while3A_50 = arith.divsi %while3A_47, %while3A_49 : i32
    %while3A_51 = arith.muli %while3A_50, %while3A_49 : i32
    %while3A_52 = arith.addi %select_n3A, %while3A_51 : i32
    %while3A_53 = arith.constant 1 : i32
    scf.for %while3A_55 = %select_n3A to %while3A_52 step %while3A_53  : i32 {
      %mul3A_56 = arith.constant 6400 : i32
      %mul3A_57 = arith.muli %while3A_55, %mul3A_56 : i32
      %multiple_of3A = tpu.assume_multiple %mul3A_57, 8 : i32
      "tpu.region"() ({
        %run_scoped3A = tpu.sem_alloc : memref<!tpu.dma_semaphore, #tpu.memory_space<semaphore_mem>>
        %dma_start3A = tpu.memref_slice %arg3[%multiple_of3A] : memref<6400000xi32, #tpu.memory_space<hbm>> -> memref<6400xi32, #tpu.memory_space<hbm>>
        %dma_start3A_66 = tpu.memref_slice %arg3[%multiple_of3A] : memref<6400000xi32, #tpu.memory_space<hbm>> -> memref<6400xi32, #tpu.memory_space<hbm>>
        tpu.enqueue_dma source(%dma_start3A_66 : memref<6400xi32, #tpu.memory_space<hbm>>) target(%arg6 : memref<6400xi32, #tpu.memory_space<vmem>>) target_semaphore(%run_scoped3A : memref<!tpu.dma_semaphore, #tpu.memory_space<semaphore_mem>>)
        %dma_wait3A = tpu.memref_slice %arg3[%multiple_of3A] : memref<6400000xi32, #tpu.memory_space<hbm>> -> memref<6400xi32, #tpu.memory_space<hbm>>
        %dma_wait3A_67 = tpu.memref_slice %arg3[%multiple_of3A] : memref<6400000xi32, #tpu.memory_space<hbm>> -> memref<6400xi32, #tpu.memory_space<hbm>>
        tpu.wait_dma2 semaphore(%run_scoped3A : memref<!tpu.dma_semaphore, #tpu.memory_space<semaphore_mem>>) src(%dma_wait3A_67 : memref<6400xi32, #tpu.memory_space<hbm>>) dst(%arg6 : memref<6400xi32, #tpu.memory_space<vmem>>)
        tpu.yield
      }) : () -> ()
      %scan3A = arith.constant 0 : i32
      %scan3A_58 = arith.constant 0 : i32
      %scan3A_59 = arith.constant 200 : i32
      %scan3A_60 = arith.addi %scan3A_58, %scan3A_59 : i32
      %scan3A_61 = arith.constant 1 : i32
      scf.for %scan3A_66 = %scan3A_58 to %scan3A_60 step %scan3A_61  : i32 {
        %shift_right_arithmetic3A = arith.constant 3 : i32
        %shift_right_arithmetic3A_67 = arith.shrsi %scan3A_66, %shift_right_arithmetic3A : i32
        %shift_left3A = arith.constant 8 : i32
        %shift_left3A_68 = arith.shli %shift_right_arithmetic3A_67, %shift_left3A : i32
        %and3A_69 = arith.constant 7 : i32
        %and3A_70 = arith.andi %scan3A_66, %and3A_69 : i32
        %shift_left3A_71 = arith.constant 4 : i32
        %shift_left3A_72 = arith.shli %and3A_70, %shift_left3A_71 : i32
        %add3A_73 = arith.addi %shift_left3A_68, %shift_left3A_72 : i32
        %get3A = arith.index_cast %add3A_73 : i32 to index
        %get3A_74 = tpu.vector_load %arg6[%get3A] {strides = array<i32>} : memref<6400xi32, #tpu.memory_space<vmem>>, vector<16xi32>,
        %add3A_75 = arith.constant 128 : i32
        %add3A_76 = arith.addi %add3A_73, %add3A_75 : i32
        %get3A_77 = arith.index_cast %add3A_76 : i32 to index
        %get3A_78 = tpu.vector_load %arg6[%get3A_77] {strides = array<i32>} : memref<6400xi32, #tpu.memory_space<vmem>>, vector<16xi32>,
        %gather3A = tpu.vector_load_idx %arg5[%get3A_74] : memref<100000xi32, #tpu.memory_space<vmem>>[vector<16xi32>], vector<16xi32>,
        %gather3A_79 = tpu.vector_load_idx %arg5[%get3A_78] : memref<100000xi32, #tpu.memory_space<vmem>>[vector<16xi32>], vector<16xi32>,
        %shift_left3A_80 = arith.constant 1 : i32
        %shift_left3A_81 = vector.broadcast %shift_left3A_80 : i32 to vector<16xi32>
        %shift_left3A_82 = arith.shli %gather3A, %shift_left3A_81 : vector<16xi32>
        %add3A_83 = arith.addi %shift_left3A_82, %gather3A_79 : vector<16xi32>
        %shift_left3A_84 = arith.constant 4 : i32
        %shift_left3A_85 = arith.shli %scan3A_66, %shift_left3A_84 : i32
        %swap3A = arith.index_cast %shift_left3A_85 : i32 to index
        %swap3A_86 = tpu.vector_load %arg7[%swap3A] {strides = array<i32>} : memref<3200xi32, #tpu.memory_space<vmem>>, vector<16xi32>,
        tpu.vector_store %arg7[%swap3A], %add3A_83 {strides = array<i32>} : memref<3200xi32, #tpu.memory_space<vmem>>, vector<16xi32>,
      }
      %scan3A_62 = arith.constant 200 : i32
      %mul3A_63 = arith.constant 3200 : i32
      %mul3A_64 = arith.muli %while3A_55, %mul3A_63 : i32
      %multiple_of3A_65 = tpu.assume_multiple %mul3A_64, 8 : i32
      "tpu.region"() ({
        %run_scoped3A = tpu.sem_alloc : memref<!tpu.dma_semaphore, #tpu.memory_space<semaphore_mem>>
        %dma_start3A = tpu.memref_slice %arg4[%multiple_of3A_65] : memref<3200000xi32, #tpu.memory_space<hbm>> -> memref<3200xi32, #tpu.memory_space<hbm>>
        %dma_start3A_66 = tpu.memref_slice %arg4[%multiple_of3A_65] : memref<3200000xi32, #tpu.memory_space<hbm>> -> memref<3200xi32, #tpu.memory_space<hbm>>
        tpu.enqueue_dma source(%arg7 : memref<3200xi32, #tpu.memory_space<vmem>>) target(%dma_start3A_66 : memref<3200xi32, #tpu.memory_space<hbm>>) target_semaphore(%run_scoped3A : memref<!tpu.dma_semaphore, #tpu.memory_space<semaphore_mem>>)
        %dma_wait3A = tpu.memref_slice %arg4[%multiple_of3A_65] : memref<3200000xi32, #tpu.memory_space<hbm>> -> memref<3200xi32, #tpu.memory_space<hbm>>
        %dma_wait3A_67 = tpu.memref_slice %arg4[%multiple_of3A_65] : memref<3200000xi32, #tpu.memory_space<hbm>> -> memref<3200xi32, #tpu.memory_space<hbm>>
        tpu.wait_dma2 semaphore(%run_scoped3A : memref<!tpu.dma_semaphore, #tpu.memory_space<semaphore_mem>>) src(%arg7 : memref<3200xi32, #tpu.memory_space<vmem>>) dst(%dma_wait3A_67 : memref<3200xi32, #tpu.memory_space<hbm>>)
        tpu.yield
      }) : () -> ()
    }
    %while3A_54 = arith.constant 1 : i32
    scf.for %while3A_55 = %while3A_52 to %while3A_48 step %while3A_54  : i32 {
      %mul3A_56 = arith.constant 6400 : i32
      %mul3A_57 = arith.muli %while3A_55, %mul3A_56 : i32
      %multiple_of3A = tpu.assume_multiple %mul3A_57, 8 : i32
      "tpu.region"() ({
        %run_scoped3A = tpu.sem_alloc : memref<!tpu.dma_semaphore, #tpu.memory_space<semaphore_mem>>
        %dma_start3A = tpu.memref_slice %arg3[%multiple_of3A] : memref<6400000xi32, #tpu.memory_space<hbm>> -> memref<6400xi32, #tpu.memory_space<hbm>>
        %dma_start3A_66 = tpu.memref_slice %arg3[%multiple_of3A] : memref<6400000xi32, #tpu.memory_space<hbm>> -> memref<6400xi32, #tpu.memory_space<hbm>>
        tpu.enqueue_dma source(%dma_start3A_66 : memref<6400xi32, #tpu.memory_space<hbm>>) target(%arg6 : memref<6400xi32, #tpu.memory_space<vmem>>) target_semaphore(%run_scoped3A : memref<!tpu.dma_semaphore, #tpu.memory_space<semaphore_mem>>)
        %dma_wait3A = tpu.memref_slice %arg3[%multiple_of3A] : memref<6400000xi32, #tpu.memory_space<hbm>> -> memref<6400xi32, #tpu.memory_space<hbm>>
        %dma_wait3A_67 = tpu.memref_slice %arg3[%multiple_of3A] : memref<6400000xi32, #tpu.memory_space<hbm>> -> memref<6400xi32, #tpu.memory_space<hbm>>
        tpu.wait_dma2 semaphore(%run_scoped3A : memref<!tpu.dma_semaphore, #tpu.memory_space<semaphore_mem>>) src(%dma_wait3A_67 : memref<6400xi32, #tpu.memory_space<hbm>>) dst(%arg6 : memref<6400xi32, #tpu.memory_space<vmem>>)
        tpu.yield
      }) : () -> ()
      %scan3A = arith.constant 0 : i32
      %scan3A_58 = arith.constant 0 : i32
      %scan3A_59 = arith.constant 200 : i32
      %scan3A_60 = arith.addi %scan3A_58, %scan3A_59 : i32
      %scan3A_61 = arith.constant 1 : i32
      scf.for %scan3A_66 = %scan3A_58 to %scan3A_60 step %scan3A_61  : i32 {
        %shift_right_arithmetic3A = arith.constant 3 : i32
        %shift_right_arithmetic3A_67 = arith.shrsi %scan3A_66, %shift_right_arithmetic3A : i32
        %shift_left3A = arith.constant 8 : i32
        %shift_left3A_68 = arith.shli %shift_right_arithmetic3A_67, %shift_left3A : i32
        %and3A_69 = arith.constant 7 : i32
        %and3A_70 = arith.andi %scan3A_66, %and3A_69 : i32
        %shift_left3A_71 = arith.constant 4 : i32
        %shift_left3A_72 = arith.shli %and3A_70, %shift_left3A_71 : i32
        %add3A_73 = arith.addi %shift_left3A_68, %shift_left3A_72 : i32
        %get3A = arith.index_cast %add3A_73 : i32 to index
        %get3A_74 = tpu.vector_load %arg6[%get3A] {strides = array<i32>} : memref<6400xi32, #tpu.memory_space<vmem>>, vector<16xi32>,
        %add3A_75 = arith.constant 128 : i32
        %add3A_76 = arith.addi %add3A_73, %add3A_75 : i32
        %get3A_77 = arith.index_cast %add3A_76 : i32 to index
        %get3A_78 = tpu.vector_load %arg6[%get3A_77] {strides = array<i32>} : memref<6400xi32, #tpu.memory_space<vmem>>, vector<16xi32>,
        %gather3A = tpu.vector_load_idx %arg5[%get3A_74] : memref<100000xi32, #tpu.memory_space<vmem>>[vector<16xi32>], vector<16xi32>,
        %gather3A_79 = tpu.vector_load_idx %arg5[%get3A_78] : memref<100000xi32, #tpu.memory_space<vmem>>[vector<16xi32>], vector<16xi32>,
        %shift_left3A_80 = arith.constant 1 : i32
        %shift_left3A_81 = vector.broadcast %shift_left3A_80 : i32 to vector<16xi32>
        %shift_left3A_82 = arith.shli %gather3A, %shift_left3A_81 : vector<16xi32>
        %add3A_83 = arith.addi %shift_left3A_82, %gather3A_79 : vector<16xi32>
        %shift_left3A_84 = arith.constant 4 : i32
        %shift_left3A_85 = arith.shli %scan3A_66, %shift_left3A_84 : i32
        %swap3A = arith.index_cast %shift_left3A_85 : i32 to index
        %swap3A_86 = tpu.vector_load %arg7[%swap3A] {strides = array<i32>} : memref<3200xi32, #tpu.memory_space<vmem>>, vector<16xi32>,
        tpu.vector_store %arg7[%swap3A], %add3A_83 {strides = array<i32>} : memref<3200xi32, #tpu.memory_space<vmem>>, vector<16xi32>,
      }
      %scan3A_62 = arith.constant 200 : i32
      %mul3A_63 = arith.constant 3200 : i32
      %mul3A_64 = arith.muli %while3A_55, %mul3A_63 : i32
      %multiple_of3A_65 = tpu.assume_multiple %mul3A_64, 8 : i32
      "tpu.region"() ({
        %run_scoped3A = tpu.sem_alloc : memref<!tpu.dma_semaphore, #tpu.memory_space<semaphore_mem>>
        %dma_start3A = tpu.memref_slice %arg4[%multiple_of3A_65] : memref<3200000xi32, #tpu.memory_space<hbm>> -> memref<3200xi32, #tpu.memory_space<hbm>>
        %dma_start3A_66 = tpu.memref_slice %arg4[%multiple_of3A_65] : memref<3200000xi32, #tpu.memory_space<hbm>> -> memref<3200xi32, #tpu.memory_space<hbm>>
        tpu.enqueue_dma source(%arg7 : memref<3200xi32, #tpu.memory_space<vmem>>) target(%dma_start3A_66 : memref<3200xi32, #tpu.memory_space<hbm>>) target_semaphore(%run_scoped3A : memref<!tpu.dma_semaphore, #tpu.memory_space<semaphore_mem>>)
        %dma_wait3A = tpu.memref_slice %arg4[%multiple_of3A_65] : memref<3200000xi32, #tpu.memory_space<hbm>> -> memref<3200xi32, #tpu.memory_space<hbm>>
        %dma_wait3A_67 = tpu.memref_slice %arg4[%multiple_of3A_65] : memref<3200000xi32, #tpu.memory_space<hbm>> -> memref<3200xi32, #tpu.memory_space<hbm>>
        tpu.wait_dma2 semaphore(%run_scoped3A : memref<!tpu.dma_semaphore, #tpu.memory_space<semaphore_mem>>) src(%arg7 : memref<3200xi32, #tpu.memory_space<vmem>>) dst(%dma_wait3A_67 : memref<3200xi32, #tpu.memory_space<hbm>>)
        tpu.yield
      }) : () -> ()
    }
    return
  }
}

module attributes {stable_mosaic.version = 14 : i64} {
  func.func @_node_body(%arg0: memref<6250x16xi32, #tpu.memory_space<vmem>>, %arg1: memref<1x32xf32, #tpu.memory_space<vmem>>, %arg2: memref<1x32xf32, #tpu.memory_space<vmem>>, %arg3: memref<16x32xf32, #tpu.memory_space<vmem>>, %arg4: memref<6250x32xf32, #tpu.memory_space<vmem>>) attributes {dimension_semantics = [], scalar_prefetch = 0 : i64, scratch_operands = 0 : i64, tpu.core_type = #tpu.core_type<tc>} {
    %get3A = arith.constant 0 : index
    %get3A_0 = arith.constant 0 : index
    %get3A_1 = vector.load %arg0[%get3A, %get3A_0] : memref<6250x16xi32, #tpu.memory_space<vmem>>, vector<6250x16xi32>
    %convert_element_type3A = arith.sitofp %get3A_1 : vector<6250x16xi32> to vector<6250x16xf32>
    %get3A_2 = arith.constant 0 : index
    %get3A_3 = arith.constant 0 : index
    %get3A_4 = vector.load %arg3[%get3A_2, %get3A_3] : memref<16x32xf32, #tpu.memory_space<vmem>>, vector<16x32xf32>
    %dot_general3A = arith.constant dense<0.000000e+00> : vector<6250x32xf32>
    %dot_general3A_5 = tpu.matmul %convert_element_type3A, %get3A_4, %dot_general3A {dimension_numbers = #tpu.dot_dimension_numbers<[1], [0], [0], [1], [0, 0, 1, 1], [], []>, transpose_lhs_hint = false} : vector<6250x16xf32>, vector<16x32xf32>, vector<6250x32xf32> -> vector<6250x32xf32>
    %get3A_6 = arith.constant 0 : index
    %get3A_7 = arith.constant 0 : index
    %get3A_8 = vector.load %arg1[%get3A_6, %get3A_7] : memref<1x32xf32, #tpu.memory_space<vmem>>, vector<1x32xf32>
    %get3A_9 = arith.constant 0 : index
    %get3A_10 = arith.constant 0 : index
    %get3A_11 = vector.load %arg2[%get3A_9, %get3A_10] : memref<1x32xf32, #tpu.memory_space<vmem>>, vector<1x32xf32>
    %mul3A = vector.broadcast %get3A_11 : vector<1x32xf32> to vector<6250x32xf32>
    %mul3A_12 = arith.mulf %dot_general3A_5, %mul3A : vector<6250x32xf32>
    %add3A = vector.broadcast %get3A_8 : vector<1x32xf32> to vector<6250x32xf32>
    %add3A_13 = arith.addf %add3A, %mul3A_12 : vector<6250x32xf32>
    %swap3A = arith.constant 0 : index
    %swap3A_14 = arith.constant 0 : index
    %swap3A_15 = vector.load %arg4[%swap3A, %swap3A_14] : memref<6250x32xf32, #tpu.memory_space<vmem>>, vector<6250x32xf32>
    tpu.vector_store %arg4[%swap3A, %swap3A_14], %add3A_13 {strides = array<i32>} : memref<6250x32xf32, #tpu.memory_space<vmem>>, vector<6250x32xf32>,
    return
  }
}

module attributes {stable_mosaic.version = 14 : i64} {
  func.func @_edge_body(%arg0: i32, %arg1: memref<1000x128xi32, #tpu.memory_space<vmem>>, %arg2: memref<1000x128xf32, #tpu.memory_space<vmem>>, %arg3: memref<4x4x2xf32, #tpu.memory_space<vmem>>, %arg4: memref<4x4x2xf32, #tpu.memory_space<vmem>>, %arg5: memref<1000x512xf32, #tpu.memory_space<vmem>>, %arg6: memref<1000x512xf32, #tpu.memory_space<vmem>>) attributes {dimension_semantics = [#tpu.dimension_semantics<arbitrary>], iteration_bounds = array<i64: 25>, scalar_prefetch = 0 : i64, scratch_operands = 0 : i64, tpu.core_type = #tpu.core_type<tc>, window_params = [{transform_indices = @transform_0, window_bounds = array<i64: 1000, 128>}, {transform_indices = @transform_1, window_bounds = array<i64: 1000, 128>}, {pipeline_mode = #tpu.pipeline_mode<synchronous>, transform_indices = @transform_2, window_bounds = array<i64: 4, 4, 2>}, {pipeline_mode = #tpu.pipeline_mode<synchronous>, transform_indices = @transform_3, window_bounds = array<i64: 4, 4, 2>}, {transform_indices = @transform_4, window_bounds = array<i64: 1000, 512>}, {transform_indices = @transform_5, window_bounds = array<i64: 1000, 512>}]} {
    %get3A = arith.constant 0 : index
    %get3A_0 = arith.constant 0 : index
    %get3A_1 = vector.load %arg1[%get3A, %get3A_0] : memref<1000x128xi32, #tpu.memory_space<vmem>>, vector<1000x128xi32>
    %eq3A = arith.constant 0 : i32
    %eq3A_2 = vector.broadcast %eq3A : i32 to vector<1000x128xi32>
    %eq3A_3 = arith.cmpi eq, %get3A_1, %eq3A_2 : vector<1000x128xi32>
    %eq3A_4 = arith.constant 1 : i32
    %eq3A_5 = vector.broadcast %eq3A_4 : i32 to vector<1000x128xi32>
    %eq3A_6 = arith.cmpi eq, %get3A_1, %eq3A_5 : vector<1000x128xi32>
    %eq3A_7 = arith.constant 2 : i32
    %eq3A_8 = vector.broadcast %eq3A_7 : i32 to vector<1000x128xi32>
    %eq3A_9 = arith.cmpi eq, %get3A_1, %eq3A_8 : vector<1000x128xi32>
    %get3A_10 = arith.constant 0 : index
    %get3A_11 = arith.constant 0 : index
    %get3A_12 = vector.load %arg2[%get3A_10, %get3A_11] : memref<1000x128xf32, #tpu.memory_space<vmem>>, vector<1000x128xf32>
    %jit3A = arith.constant 6.652620e-01 : f32
    %jit3A_13 = arith.constant 0.431782424 : f32
    %broadcast_in_dim3A = vector.broadcast %jit3A : f32 to vector<1000x128xf32>
    %broadcast_in_dim3A_14 = vector.broadcast %jit3A_13 : f32 to vector<1000x128xf32>
    %select_n3A = arith.select %eq3A_9, %broadcast_in_dim3A, %broadcast_in_dim3A_14 : vector<1000x128xi1>, vector<1000x128xf32>
    %jit3A_15 = arith.constant 6.652620e-01 : f32
    %broadcast_in_dim3A_16 = vector.broadcast %jit3A_15 : f32 to vector<1000x128xf32>
    %select_n3A_17 = arith.select %eq3A_6, %broadcast_in_dim3A_16, %select_n3A : vector<1000x128xi1>, vector<1000x128xf32>
    %jit3A_18 = arith.constant 0.854415357 : f32
    %broadcast_in_dim3A_19 = vector.broadcast %jit3A_18 : f32 to vector<1000x128xf32>
    %select_n3A_20 = arith.select %eq3A_3, %broadcast_in_dim3A_19, %select_n3A_17 : vector<1000x128xi1>, vector<1000x128xf32>
    %log3A = math.log %get3A_12 : vector<1000x128xf32>
    %sub3A = arith.subf %select_n3A_20, %log3A : vector<1000x128xf32>
    %sub3A_21 = arith.constant 5.000000e+00 : f32
    %sub3A_22 = vector.broadcast %sub3A_21 : f32 to vector<1000x128xf32>
    %sub3A_23 = arith.subf %get3A_12, %sub3A_22 : vector<1000x128xf32>
    %add3A = arith.constant 5.000000e+00 : f32
    %add3A_24 = vector.broadcast %add3A : f32 to vector<1000x128xf32>
    %add3A_25 = arith.addf %sub3A_23, %add3A_24 : vector<1000x128xf32>
    %div3A = arith.constant 1.000000e+00 : f32
    %div3A_26 = vector.broadcast %div3A : f32 to vector<1000x128xf32>
    %div3A_27 = arith.divf %add3A_25, %div3A_26 : vector<1000x128xf32>
    %exp3A = math.exp %div3A_27 : vector<1000x128xf32>
    %add3A_28 = arith.constant 1.000000e+00 : f32
    %add3A_29 = vector.broadcast %add3A_28 : f32 to vector<1000x128xf32>
    %add3A_30 = arith.addf %add3A_29, %exp3A : vector<1000x128xf32>
    %div3A_31 = arith.constant 1.000000e+00 : f32
    %div3A_32 = vector.broadcast %div3A_31 : f32 to vector<1000x128xf32>
    %div3A_33 = arith.divf %div3A_32, %add3A_30 : vector<1000x128xf32>
    %eq3A_34 = arith.constant 3 : i32
    %eq3A_35 = vector.broadcast %eq3A_34 : i32 to vector<1000x128xi32>
    %eq3A_36 = arith.cmpi eq, %get3A_1, %eq3A_35 : vector<1000x128xi32>
    %or3A = arith.ori %eq3A_3, %eq3A_36 : vector<1000x128xi1>
    %jit3A_37 = arith.constant 0.000000e+00 : f32
    %broadcast_in_dim3A_38 = vector.broadcast %jit3A_37 : f32 to vector<1000x128xf32>
    %select_n3A_39 = arith.select %or3A, %div3A_33, %broadcast_in_dim3A_38 : vector<1000x128xi1>, vector<1000x128xf32>
    %get3A_40 = arith.constant 0 : index
    %get3A_41 = arith.constant 0 : index
    %get3A_42 = arith.constant 0 : index
    %get3A_43 = vector.load %arg3[%get3A_40, %get3A_41, %get3A_42] : memref<4x4x2xf32, #tpu.memory_space<vmem>>, vector<1x1x1xf32>
    %get3A_44 = vector.extract %get3A_43[0, 0, 0] : f32 from vector<1x1x1xf32>
    %get3A_45 = arith.constant 1 : index
    %get3A_46 = arith.constant 0 : index
    %get3A_47 = arith.constant 0 : index
    %get3A_48 = vector.load %arg3[%get3A_45, %get3A_46, %get3A_47] : memref<4x4x2xf32, #tpu.memory_space<vmem>>, vector<1x1x1xf32>
    %get3A_49 = vector.extract %get3A_48[0, 0, 0] : f32 from vector<1x1x1xf32>
    %get3A_50 = arith.constant 2 : index
    %get3A_51 = arith.constant 0 : index
    %get3A_52 = arith.constant 0 : index
    %get3A_53 = vector.load %arg3[%get3A_50, %get3A_51, %get3A_52] : memref<4x4x2xf32, #tpu.memory_space<vmem>>, vector<1x1x1xf32>
    %get3A_54 = vector.extract %get3A_53[0, 0, 0] : f32 from vector<1x1x1xf32>
    %get3A_55 = arith.constant 3 : index
    %get3A_56 = arith.constant 0 : index
    %get3A_57 = arith.constant 0 : index
    %get3A_58 = vector.load %arg3[%get3A_55, %get3A_56, %get3A_57] : memref<4x4x2xf32, #tpu.memory_space<vmem>>, vector<1x1x1xf32>
    %get3A_59 = vector.extract %get3A_58[0, 0, 0] : f32 from vector<1x1x1xf32>
    %broadcast_in_dim3A_60 = vector.broadcast %get3A_54 : f32 to vector<1000x128xf32>
    %broadcast_in_dim3A_61 = vector.broadcast %get3A_59 : f32 to vector<1000x128xf32>
    %select_n3A_62 = arith.select %eq3A_9, %broadcast_in_dim3A_60, %broadcast_in_dim3A_61 : vector<1000x128xi1>, vector<1000x128xf32>
    %broadcast_in_dim3A_63 = vector.broadcast %get3A_49 : f32 to vector<1000x128xf32>
    %select_n3A_64 = arith.select %eq3A_6, %broadcast_in_dim3A_63, %select_n3A_62 : vector<1000x128xi1>, vector<1000x128xf32>
    %broadcast_in_dim3A_65 = vector.broadcast %get3A_44 : f32 to vector<1000x128xf32>
    %select_n3A_66 = arith.select %eq3A_3, %broadcast_in_dim3A_65, %select_n3A_64 : vector<1000x128xi1>, vector<1000x128xf32>
    %get3A_67 = arith.constant 0 : index
    %get3A_68 = arith.constant 0 : index
    %get3A_69 = arith.constant 1 : index
    %get3A_70 = vector.load %arg3[%get3A_67, %get3A_68, %get3A_69] : memref<4x4x2xf32, #tpu.memory_space<vmem>>, vector<1x1x1xf32>
    %get3A_71 = vector.extract %get3A_70[0, 0, 0] : f32 from vector<1x1x1xf32>
    %get3A_72 = arith.constant 1 : index
    %get3A_73 = arith.constant 0 : index
    %get3A_74 = arith.constant 1 : index
    %get3A_75 = vector.load %arg3[%get3A_72, %get3A_73, %get3A_74] : memref<4x4x2xf32, #tpu.memory_space<vmem>>, vector<1x1x1xf32>
    %get3A_76 = vector.extract %get3A_75[0, 0, 0] : f32 from vector<1x1x1xf32>
    %get3A_77 = arith.constant 2 : index
    %get3A_78 = arith.constant 0 : index
    %get3A_79 = arith.constant 1 : index
    %get3A_80 = vector.load %arg3[%get3A_77, %get3A_78, %get3A_79] : memref<4x4x2xf32, #tpu.memory_space<vmem>>, vector<1x1x1xf32>
    %get3A_81 = vector.extract %get3A_80[0, 0, 0] : f32 from vector<1x1x1xf32>
    %get3A_82 = arith.constant 3 : index
    %get3A_83 = arith.constant 0 : index
    %get3A_84 = arith.constant 1 : index
    %get3A_85 = vector.load %arg3[%get3A_82, %get3A_83, %get3A_84] : memref<4x4x2xf32, #tpu.memory_space<vmem>>, vector<1x1x1xf32>
    %get3A_86 = vector.extract %get3A_85[0, 0, 0] : f32 from vector<1x1x1xf32>
    %abs3A = math.absf %get3A_71 : f32
    %abs3A_87 = math.absf %get3A_76 : f32
    %abs3A_88 = math.absf %get3A_81 : f32
    %abs3A_89 = math.absf %get3A_86 : f32
    %broadcast_in_dim3A_90 = vector.broadcast %abs3A_88 : f32 to vector<1000x128xf32>
    %broadcast_in_dim3A_91 = vector.broadcast %abs3A_89 : f32 to vector<1000x128xf32>
    %select_n3A_92 = arith.select %eq3A_9, %broadcast_in_dim3A_90, %broadcast_in_dim3A_91 : vector<1000x128xi1>, vector<1000x128xf32>
    %broadcast_in_dim3A_93 = vector.broadcast %abs3A_87 : f32 to vector<1000x128xf32>
    %select_n3A_94 = arith.select %eq3A_6, %broadcast_in_dim3A_93, %select_n3A_92 : vector<1000x128xi1>, vector<1000x128xf32>
    %broadcast_in_dim3A_95 = vector.broadcast %abs3A : f32 to vector<1000x128xf32>
    %select_n3A_96 = arith.select %eq3A_3, %broadcast_in_dim3A_95, %select_n3A_94 : vector<1000x128xi1>, vector<1000x128xf32>
    %add3A_97 = arith.constant 1.000000e+00 : f32
    %add3A_98 = vector.broadcast %add3A_97 : f32 to vector<1000x128xf32>
    %add3A_99 = arith.addf %add3A_98, %select_n3A_96 : vector<1000x128xf32>
    %mul3A = arith.mulf %add3A_99, %sub3A : vector<1000x128xf32>
    %exp3A_100 = math.exp %mul3A : vector<1000x128xf32>
    %mul3A_101 = arith.mulf %select_n3A_66, %exp3A_100 : vector<1000x128xf32>
    %mul3A_102 = arith.mulf %mul3A_101, %div3A_33 : vector<1000x128xf32>
    %swap3A = arith.constant 0 : index
    %swap3A_103 = arith.constant 0 : index
    %swap3A_104 = vector.load %arg5[%swap3A, %swap3A_103] : memref<1000x512xf32, #tpu.memory_space<vmem>>, vector<1000x128xf32>
    tpu.vector_store %arg5[%swap3A, %swap3A_103], %mul3A_102 {strides = array<i32>} : memref<1000x512xf32, #tpu.memory_space<vmem>>, vector<1000x128xf32>,
    %get3A_105 = arith.constant 0 : index
    %get3A_106 = arith.constant 0 : index
    %get3A_107 = arith.constant 0 : index
    %get3A_108 = vector.load %arg4[%get3A_105, %get3A_106, %get3A_107] : memref<4x4x2xf32, #tpu.memory_space<vmem>>, vector<1x1x1xf32>
    %get3A_109 = vector.extract %get3A_108[0, 0, 0] : f32 from vector<1x1x1xf32>
    %get3A_110 = arith.constant 1 : index
    %get3A_111 = arith.constant 0 : index
    %get3A_112 = arith.constant 0 : index
    %get3A_113 = vector.load %arg4[%get3A_110, %get3A_111, %get3A_112] : memref<4x4x2xf32, #tpu.memory_space<vmem>>, vector<1x1x1xf32>
    %get3A_114 = vector.extract %get3A_113[0, 0, 0] : f32 from vector<1x1x1xf32>
    %get3A_115 = arith.constant 2 : index
    %get3A_116 = arith.constant 0 : index
    %get3A_117 = arith.constant 0 : index
    %get3A_118 = vector.load %arg4[%get3A_115, %get3A_116, %get3A_117] : memref<4x4x2xf32, #tpu.memory_space<vmem>>, vector<1x1x1xf32>
    %get3A_119 = vector.extract %get3A_118[0, 0, 0] : f32 from vector<1x1x1xf32>
    %get3A_120 = arith.constant 3 : index
    %get3A_121 = arith.constant 0 : index
    %get3A_122 = arith.constant 0 : index
    %get3A_123 = vector.load %arg4[%get3A_120, %get3A_121, %get3A_122] : memref<4x4x2xf32, #tpu.memory_space<vmem>>, vector<1x1x1xf32>
    %get3A_124 = vector.extract %get3A_123[0, 0, 0] : f32 from vector<1x1x1xf32>
    %broadcast_in_dim3A_125 = vector.broadcast %get3A_119 : f32 to vector<1000x128xf32>
    %broadcast_in_dim3A_126 = vector.broadcast %get3A_124 : f32 to vector<1000x128xf32>
    %select_n3A_127 = arith.select %eq3A_9, %broadcast_in_dim3A_125, %broadcast_in_dim3A_126 : vector<1000x128xi1>, vector<1000x128xf32>
    %broadcast_in_dim3A_128 = vector.broadcast %get3A_114 : f32 to vector<1000x128xf32>
    %select_n3A_129 = arith.select %eq3A_6, %broadcast_in_dim3A_128, %select_n3A_127 : vector<1000x128xi1>, vector<1000x128xf32>
    %broadcast_in_dim3A_130 = vector.broadcast %get3A_109 : f32 to vector<1000x128xf32>
    %select_n3A_131 = arith.select %eq3A_3, %broadcast_in_dim3A_130, %select_n3A_129 : vector<1000x128xi1>, vector<1000x128xf32>
    %get3A_132 = arith.constant 0 : index
    %get3A_133 = arith.constant 0 : index
    %get3A_134 = arith.constant 1 : index
    %get3A_135 = vector.load %arg4[%get3A_132, %get3A_133, %get3A_134] : memref<4x4x2xf32, #tpu.memory_space<vmem>>, vector<1x1x1xf32>
    %get3A_136 = vector.extract %get3A_135[0, 0, 0] : f32 from vector<1x1x1xf32>
    %get3A_137 = arith.constant 1 : index
    %get3A_138 = arith.constant 0 : index
    %get3A_139 = arith.constant 1 : index
    %get3A_140 = vector.load %arg4[%get3A_137, %get3A_138, %get3A_139] : memref<4x4x2xf32, #tpu.memory_space<vmem>>, vector<1x1x1xf32>
    %get3A_141 = vector.extract %get3A_140[0, 0, 0] : f32 from vector<1x1x1xf32>
    %get3A_142 = arith.constant 2 : index
    %get3A_143 = arith.constant 0 : index
    %get3A_144 = arith.constant 1 : index
    %get3A_145 = vector.load %arg4[%get3A_142, %get3A_143, %get3A_144] : memref<4x4x2xf32, #tpu.memory_space<vmem>>, vector<1x1x1xf32>
    %get3A_146 = vector.extract %get3A_145[0, 0, 0] : f32 from vector<1x1x1xf32>
    %get3A_147 = arith.constant 3 : index
    %get3A_148 = arith.constant 0 : index
    %get3A_149 = arith.constant 1 : index
    %get3A_150 = vector.load %arg4[%get3A_147, %get3A_148, %get3A_149] : memref<4x4x2xf32, #tpu.memory_space<vmem>>, vector<1x1x1xf32>
    %get3A_151 = vector.extract %get3A_150[0, 0, 0] : f32 from vector<1x1x1xf32>
    %abs3A_152 = math.absf %get3A_136 : f32
    %abs3A_153 = math.absf %get3A_141 : f32
    %abs3A_154 = math.absf %get3A_146 : f32
    %abs3A_155 = math.absf %get3A_151 : f32
    %broadcast_in_dim3A_156 = vector.broadcast %abs3A_154 : f32 to vector<1000x128xf32>
    %broadcast_in_dim3A_157 = vector.broadcast %abs3A_155 : f32 to vector<1000x128xf32>
    %select_n3A_158 = arith.select %eq3A_9, %broadcast_in_dim3A_156, %broadcast_in_dim3A_157 : vector<1000x128xi1>, vector<1000x128xf32>
    %broadcast_in_dim3A_159 = vector.broadcast %abs3A_153 : f32 to vector<1000x128xf32>
    %select_n3A_160 = arith.select %eq3A_6, %broadcast_in_dim3A_159, %select_n3A_158 : vector<1000x128xi1>, vector<1000x128xf32>
    %broadcast_in_dim3A_161 = vector.broadcast %abs3A_152 : f32 to vector<1000x128xf32>
    %select_n3A_162 = arith.select %eq3A_3, %broadcast_in_dim3A_161, %select_n3A_160 : vector<1000x128xi1>, vector<1000x128xf32>
    %add3A_163 = arith.constant 1.000000e+00 : f32
    %add3A_164 = vector.broadcast %add3A_163 : f32 to vector<1000x128xf32>
    %add3A_165 = arith.addf %add3A_164, %select_n3A_162 : vector<1000x128xf32>
    %mul3A_166 = arith.mulf %add3A_165, %sub3A : vector<1000x128xf32>
    %exp3A_167 = math.exp %mul3A_166 : vector<1000x128xf32>
    %mul3A_168 = arith.mulf %select_n3A_131, %exp3A_167 : vector<1000x128xf32>
    %mul3A_169 = arith.mulf %mul3A_168, %div3A_33 : vector<1000x128xf32>
    %mul3A_170 = arith.constant 1.000000e+00 : f32
    %mul3A_171 = vector.broadcast %mul3A_170 : f32 to vector<1000x128xf32>
    %mul3A_172 = arith.mulf %mul3A_171, %select_n3A_39 : vector<1000x128xf32>
    %add3A_173 = arith.addf %mul3A_169, %mul3A_172 : vector<1000x128xf32>
    %swap3A_174 = arith.constant 0 : index
    %swap3A_175 = arith.constant 0 : index
    %swap3A_176 = vector.load %arg6[%swap3A_174, %swap3A_175] : memref<1000x512xf32, #tpu.memory_space<vmem>>, vector<1000x128xf32>
    tpu.vector_store %arg6[%swap3A_174, %swap3A_175], %add3A_173 {strides = array<i32>} : memref<1000x512xf32, #tpu.memory_space<vmem>>, vector<1000x128xf32>,
    %get3A_177 = arith.constant 0 : index
    %get3A_178 = arith.constant 1 : index
    %get3A_179 = arith.constant 0 : index
    %get3A_180 = vector.load %arg3[%get3A_177, %get3A_178, %get3A_179] : memref<4x4x2xf32, #tpu.memory_space<vmem>>, vector<1x1x1xf32>
    %get3A_181 = vector.extract %get3A_180[0, 0, 0] : f32 from vector<1x1x1xf32>
    %get3A_182 = arith.constant 1 : index
    %get3A_183 = arith.constant 1 : index
    %get3A_184 = arith.constant 0 : index
    %get3A_185 = vector.load %arg3[%get3A_182, %get3A_183, %get3A_184] : memref<4x4x2xf32, #tpu.memory_space<vmem>>, vector<1x1x1xf32>
    %get3A_186 = vector.extract %get3A_185[0, 0, 0] : f32 from vector<1x1x1xf32>
    %get3A_187 = arith.constant 2 : index
    %get3A_188 = arith.constant 1 : index
    %get3A_189 = arith.constant 0 : index
    %get3A_190 = vector.load %arg3[%get3A_187, %get3A_188, %get3A_189] : memref<4x4x2xf32, #tpu.memory_space<vmem>>, vector<1x1x1xf32>
    %get3A_191 = vector.extract %get3A_190[0, 0, 0] : f32 from vector<1x1x1xf32>
    %get3A_192 = arith.constant 3 : index
    %get3A_193 = arith.constant 1 : index
    %get3A_194 = arith.constant 0 : index
    %get3A_195 = vector.load %arg3[%get3A_192, %get3A_193, %get3A_194] : memref<4x4x2xf32, #tpu.memory_space<vmem>>, vector<1x1x1xf32>
    %get3A_196 = vector.extract %get3A_195[0, 0, 0] : f32 from vector<1x1x1xf32>
    %broadcast_in_dim3A_197 = vector.broadcast %get3A_191 : f32 to vector<1000x128xf32>
    %broadcast_in_dim3A_198 = vector.broadcast %get3A_196 : f32 to vector<1000x128xf32>
    %select_n3A_199 = arith.select %eq3A_9, %broadcast_in_dim3A_197, %broadcast_in_dim3A_198 : vector<1000x128xi1>, vector<1000x128xf32>
    %broadcast_in_dim3A_200 = vector.broadcast %get3A_186 : f32 to vector<1000x128xf32>
    %select_n3A_201 = arith.select %eq3A_6, %broadcast_in_dim3A_200, %select_n3A_199 : vector<1000x128xi1>, vector<1000x128xf32>
    %broadcast_in_dim3A_202 = vector.broadcast %get3A_181 : f32 to vector<1000x128xf32>
    %select_n3A_203 = arith.select %eq3A_3, %broadcast_in_dim3A_202, %select_n3A_201 : vector<1000x128xi1>, vector<1000x128xf32>
    %get3A_204 = arith.constant 0 : index
    %get3A_205 = arith.constant 1 : index
    %get3A_206 = arith.constant 1 : index
    %get3A_207 = vector.load %arg3[%get3A_204, %get3A_205, %get3A_206] : memref<4x4x2xf32, #tpu.memory_space<vmem>>, vector<1x1x1xf32>
    %get3A_208 = vector.extract %get3A_207[0, 0, 0] : f32 from vector<1x1x1xf32>
    %get3A_209 = arith.constant 1 : index
    %get3A_210 = arith.constant 1 : index
    %get3A_211 = arith.constant 1 : index
    %get3A_212 = vector.load %arg3[%get3A_209, %get3A_210, %get3A_211] : memref<4x4x2xf32, #tpu.memory_space<vmem>>, vector<1x1x1xf32>
    %get3A_213 = vector.extract %get3A_212[0, 0, 0] : f32 from vector<1x1x1xf32>
    %get3A_214 = arith.constant 2 : index
    %get3A_215 = arith.constant 1 : index
    %get3A_216 = arith.constant 1 : index
    %get3A_217 = vector.load %arg3[%get3A_214, %get3A_215, %get3A_216] : memref<4x4x2xf32, #tpu.memory_space<vmem>>, vector<1x1x1xf32>
    %get3A_218 = vector.extract %get3A_217[0, 0, 0] : f32 from vector<1x1x1xf32>
    %get3A_219 = arith.constant 3 : index
    %get3A_220 = arith.constant 1 : index
    %get3A_221 = arith.constant 1 : index
    %get3A_222 = vector.load %arg3[%get3A_219, %get3A_220, %get3A_221] : memref<4x4x2xf32, #tpu.memory_space<vmem>>, vector<1x1x1xf32>
    %get3A_223 = vector.extract %get3A_222[0, 0, 0] : f32 from vector<1x1x1xf32>
    %abs3A_224 = math.absf %get3A_208 : f32
    %abs3A_225 = math.absf %get3A_213 : f32
    %abs3A_226 = math.absf %get3A_218 : f32
    %abs3A_227 = math.absf %get3A_223 : f32
    %broadcast_in_dim3A_228 = vector.broadcast %abs3A_226 : f32 to vector<1000x128xf32>
    %broadcast_in_dim3A_229 = vector.broadcast %abs3A_227 : f32 to vector<1000x128xf32>
    %select_n3A_230 = arith.select %eq3A_9, %broadcast_in_dim3A_228, %broadcast_in_dim3A_229 : vector<1000x128xi1>, vector<1000x128xf32>
    %broadcast_in_dim3A_231 = vector.broadcast %abs3A_225 : f32 to vector<1000x128xf32>
    %select_n3A_232 = arith.select %eq3A_6, %broadcast_in_dim3A_231, %select_n3A_230 : vector<1000x128xi1>, vector<1000x128xf32>
    %broadcast_in_dim3A_233 = vector.broadcast %abs3A_224 : f32 to vector<1000x128xf32>
    %select_n3A_234 = arith.select %eq3A_3, %broadcast_in_dim3A_233, %select_n3A_232 : vector<1000x128xi1>, vector<1000x128xf32>
    %add3A_235 = arith.constant 1.000000e+00 : f32
    %add3A_236 = vector.broadcast %add3A_235 : f32 to vector<1000x128xf32>
    %add3A_237 = arith.addf %add3A_236, %select_n3A_234 : vector<1000x128xf32>
    %mul3A_238 = arith.mulf %add3A_237, %sub3A : vector<1000x128xf32>
    %exp3A_239 = math.exp %mul3A_238 : vector<1000x128xf32>
    %mul3A_240 = arith.mulf %select_n3A_203, %exp3A_239 : vector<1000x128xf32>
    %mul3A_241 = arith.mulf %mul3A_240, %div3A_33 : vector<1000x128xf32>
    %swap3A_242 = arith.constant 0 : index
    %swap3A_243 = arith.constant 128 : index
    %swap3A_244 = vector.load %arg5[%swap3A_242, %swap3A_243] : memref<1000x512xf32, #tpu.memory_space<vmem>>, vector<1000x128xf32>
    tpu.vector_store %arg5[%swap3A_242, %swap3A_243], %mul3A_241 {strides = array<i32>} : memref<1000x512xf32, #tpu.memory_space<vmem>>, vector<1000x128xf32>,
    %get3A_245 = arith.constant 0 : index
    %get3A_246 = arith.constant 1 : index
    %get3A_247 = arith.constant 0 : index
    %get3A_248 = vector.load %arg4[%get3A_245, %get3A_246, %get3A_247] : memref<4x4x2xf32, #tpu.memory_space<vmem>>, vector<1x1x1xf32>
    %get3A_249 = vector.extract %get3A_248[0, 0, 0] : f32 from vector<1x1x1xf32>
    %get3A_250 = arith.constant 1 : index
    %get3A_251 = arith.constant 1 : index
    %get3A_252 = arith.constant 0 : index
    %get3A_253 = vector.load %arg4[%get3A_250, %get3A_251, %get3A_252] : memref<4x4x2xf32, #tpu.memory_space<vmem>>, vector<1x1x1xf32>
    %get3A_254 = vector.extract %get3A_253[0, 0, 0] : f32 from vector<1x1x1xf32>
    %get3A_255 = arith.constant 2 : index
    %get3A_256 = arith.constant 1 : index
    %get3A_257 = arith.constant 0 : index
    %get3A_258 = vector.load %arg4[%get3A_255, %get3A_256, %get3A_257] : memref<4x4x2xf32, #tpu.memory_space<vmem>>, vector<1x1x1xf32>
    %get3A_259 = vector.extract %get3A_258[0, 0, 0] : f32 from vector<1x1x1xf32>
    %get3A_260 = arith.constant 3 : index
    %get3A_261 = arith.constant 1 : index
    %get3A_262 = arith.constant 0 : index
    %get3A_263 = vector.load %arg4[%get3A_260, %get3A_261, %get3A_262] : memref<4x4x2xf32, #tpu.memory_space<vmem>>, vector<1x1x1xf32>
    %get3A_264 = vector.extract %get3A_263[0, 0, 0] : f32 from vector<1x1x1xf32>
    %broadcast_in_dim3A_265 = vector.broadcast %get3A_259 : f32 to vector<1000x128xf32>
    %broadcast_in_dim3A_266 = vector.broadcast %get3A_264 : f32 to vector<1000x128xf32>
    %select_n3A_267 = arith.select %eq3A_9, %broadcast_in_dim3A_265, %broadcast_in_dim3A_266 : vector<1000x128xi1>, vector<1000x128xf32>
    %broadcast_in_dim3A_268 = vector.broadcast %get3A_254 : f32 to vector<1000x128xf32>
    %select_n3A_269 = arith.select %eq3A_6, %broadcast_in_dim3A_268, %select_n3A_267 : vector<1000x128xi1>, vector<1000x128xf32>
    %broadcast_in_dim3A_270 = vector.broadcast %get3A_249 : f32 to vector<1000x128xf32>
    %select_n3A_271 = arith.select %eq3A_3, %broadcast_in_dim3A_270, %select_n3A_269 : vector<1000x128xi1>, vector<1000x128xf32>
    %get3A_272 = arith.constant 0 : index
    %get3A_273 = arith.constant 1 : index
    %get3A_274 = arith.constant 1 : index
    %get3A_275 = vector.load %arg4[%get3A_272, %get3A_273, %get3A_274] : memref<4x4x2xf32, #tpu.memory_space<vmem>>, vector<1x1x1xf32>
    %get3A_276 = vector.extract %get3A_275[0, 0, 0] : f32 from vector<1x1x1xf32>
    %get3A_277 = arith.constant 1 : index
    %get3A_278 = arith.constant 1 : index
    %get3A_279 = arith.constant 1 : index
    %get3A_280 = vector.load %arg4[%get3A_277, %get3A_278, %get3A_279] : memref<4x4x2xf32, #tpu.memory_space<vmem>>, vector<1x1x1xf32>
    %get3A_281 = vector.extract %get3A_280[0, 0, 0] : f32 from vector<1x1x1xf32>
    %get3A_282 = arith.constant 2 : index
    %get3A_283 = arith.constant 1 : index
    %get3A_284 = arith.constant 1 : index
    %get3A_285 = vector.load %arg4[%get3A_282, %get3A_283, %get3A_284] : memref<4x4x2xf32, #tpu.memory_space<vmem>>, vector<1x1x1xf32>
    %get3A_286 = vector.extract %get3A_285[0, 0, 0] : f32 from vector<1x1x1xf32>
    %get3A_287 = arith.constant 3 : index
    %get3A_288 = arith.constant 1 : index
    %get3A_289 = arith.constant 1 : index
    %get3A_290 = vector.load %arg4[%get3A_287, %get3A_288, %get3A_289] : memref<4x4x2xf32, #tpu.memory_space<vmem>>, vector<1x1x1xf32>
    %get3A_291 = vector.extract %get3A_290[0, 0, 0] : f32 from vector<1x1x1xf32>
    %abs3A_292 = math.absf %get3A_276 : f32
    %abs3A_293 = math.absf %get3A_281 : f32
    %abs3A_294 = math.absf %get3A_286 : f32
    %abs3A_295 = math.absf %get3A_291 : f32
    %broadcast_in_dim3A_296 = vector.broadcast %abs3A_294 : f32 to vector<1000x128xf32>
    %broadcast_in_dim3A_297 = vector.broadcast %abs3A_295 : f32 to vector<1000x128xf32>
    %select_n3A_298 = arith.select %eq3A_9, %broadcast_in_dim3A_296, %broadcast_in_dim3A_297 : vector<1000x128xi1>, vector<1000x128xf32>
    %broadcast_in_dim3A_299 = vector.broadcast %abs3A_293 : f32 to vector<1000x128xf32>
    %select_n3A_300 = arith.select %eq3A_6, %broadcast_in_dim3A_299, %select_n3A_298 : vector<1000x128xi1>, vector<1000x128xf32>
    %broadcast_in_dim3A_301 = vector.broadcast %abs3A_292 : f32 to vector<1000x128xf32>
    %select_n3A_302 = arith.select %eq3A_3, %broadcast_in_dim3A_301, %select_n3A_300 : vector<1000x128xi1>, vector<1000x128xf32>
    %add3A_303 = arith.constant 1.000000e+00 : f32
    %add3A_304 = vector.broadcast %add3A_303 : f32 to vector<1000x128xf32>
    %add3A_305 = arith.addf %add3A_304, %select_n3A_302 : vector<1000x128xf32>
    %mul3A_306 = arith.mulf %add3A_305, %sub3A : vector<1000x128xf32>
    %exp3A_307 = math.exp %mul3A_306 : vector<1000x128xf32>
    %mul3A_308 = arith.mulf %select_n3A_271, %exp3A_307 : vector<1000x128xf32>
    %mul3A_309 = arith.mulf %mul3A_308, %div3A_33 : vector<1000x128xf32>
    %swap3A_310 = arith.constant 0 : index
    %swap3A_311 = arith.constant 128 : index
    %swap3A_312 = vector.load %arg6[%swap3A_310, %swap3A_311] : memref<1000x512xf32, #tpu.memory_space<vmem>>, vector<1000x128xf32>
    tpu.vector_store %arg6[%swap3A_310, %swap3A_311], %mul3A_309 {strides = array<i32>} : memref<1000x512xf32, #tpu.memory_space<vmem>>, vector<1000x128xf32>,
    %get3A_313 = arith.constant 0 : index
    %get3A_314 = arith.constant 2 : index
    %get3A_315 = arith.constant 0 : index
    %get3A_316 = vector.load %arg3[%get3A_313, %get3A_314, %get3A_315] : memref<4x4x2xf32, #tpu.memory_space<vmem>>, vector<1x1x1xf32>
    %get3A_317 = vector.extract %get3A_316[0, 0, 0] : f32 from vector<1x1x1xf32>
    %get3A_318 = arith.constant 1 : index
    %get3A_319 = arith.constant 2 : index
    %get3A_320 = arith.constant 0 : index
    %get3A_321 = vector.load %arg3[%get3A_318, %get3A_319, %get3A_320] : memref<4x4x2xf32, #tpu.memory_space<vmem>>, vector<1x1x1xf32>
    %get3A_322 = vector.extract %get3A_321[0, 0, 0] : f32 from vector<1x1x1xf32>
    %get3A_323 = arith.constant 2 : index
    %get3A_324 = arith.constant 2 : index
    %get3A_325 = arith.constant 0 : index
    %get3A_326 = vector.load %arg3[%get3A_323, %get3A_324, %get3A_325] : memref<4x4x2xf32, #tpu.memory_space<vmem>>, vector<1x1x1xf32>
    %get3A_327 = vector.extract %get3A_326[0, 0, 0] : f32 from vector<1x1x1xf32>
    %get3A_328 = arith.constant 3 : index
    %get3A_329 = arith.constant 2 : index
    %get3A_330 = arith.constant 0 : index
    %get3A_331 = vector.load %arg3[%get3A_328, %get3A_329, %get3A_330] : memref<4x4x2xf32, #tpu.memory_space<vmem>>, vector<1x1x1xf32>
    %get3A_332 = vector.extract %get3A_331[0, 0, 0] : f32 from vector<1x1x1xf32>
    %broadcast_in_dim3A_333 = vector.broadcast %get3A_327 : f32 to vector<1000x128xf32>
    %broadcast_in_dim3A_334 = vector.broadcast %get3A_332 : f32 to vector<1000x128xf32>
    %select_n3A_335 = arith.select %eq3A_9, %broadcast_in_dim3A_333, %broadcast_in_dim3A_334 : vector<1000x128xi1>, vector<1000x128xf32>
    %broadcast_in_dim3A_336 = vector.broadcast %get3A_322 : f32 to vector<1000x128xf32>
    %select_n3A_337 = arith.select %eq3A_6, %broadcast_in_dim3A_336, %select_n3A_335 : vector<1000x128xi1>, vector<1000x128xf32>
    %broadcast_in_dim3A_338 = vector.broadcast %get3A_317 : f32 to vector<1000x128xf32>
    %select_n3A_339 = arith.select %eq3A_3, %broadcast_in_dim3A_338, %select_n3A_337 : vector<1000x128xi1>, vector<1000x128xf32>
    %get3A_340 = arith.constant 0 : index
    %get3A_341 = arith.constant 2 : index
    %get3A_342 = arith.constant 1 : index
    %get3A_343 = vector.load %arg3[%get3A_340, %get3A_341, %get3A_342] : memref<4x4x2xf32, #tpu.memory_space<vmem>>, vector<1x1x1xf32>
    %get3A_344 = vector.extract %get3A_343[0, 0, 0] : f32 from vector<1x1x1xf32>
    %get3A_345 = arith.constant 1 : index
    %get3A_346 = arith.constant 2 : index
    %get3A_347 = arith.constant 1 : index
    %get3A_348 = vector.load %arg3[%get3A_345, %get3A_346, %get3A_347] : memref<4x4x2xf32, #tpu.memory_space<vmem>>, vector<1x1x1xf32>
    %get3A_349 = vector.extract %get3A_348[0, 0, 0] : f32 from vector<1x1x1xf32>
    %get3A_350 = arith.constant 2 : index
    %get3A_351 = arith.constant 2 : index
    %get3A_352 = arith.constant 1 : index
    %get3A_353 = vector.load %arg3[%get3A_350, %get3A_351, %get3A_352] : memref<4x4x2xf32, #tpu.memory_space<vmem>>, vector<1x1x1xf32>
    %get3A_354 = vector.extract %get3A_353[0, 0, 0] : f32 from vector<1x1x1xf32>
    %get3A_355 = arith.constant 3 : index
    %get3A_356 = arith.constant 2 : index
    %get3A_357 = arith.constant 1 : index
    %get3A_358 = vector.load %arg3[%get3A_355, %get3A_356, %get3A_357] : memref<4x4x2xf32, #tpu.memory_space<vmem>>, vector<1x1x1xf32>
    %get3A_359 = vector.extract %get3A_358[0, 0, 0] : f32 from vector<1x1x1xf32>
    %abs3A_360 = math.absf %get3A_344 : f32
    %abs3A_361 = math.absf %get3A_349 : f32
    %abs3A_362 = math.absf %get3A_354 : f32
    %abs3A_363 = math.absf %get3A_359 : f32
    %broadcast_in_dim3A_364 = vector.broadcast %abs3A_362 : f32 to vector<1000x128xf32>
    %broadcast_in_dim3A_365 = vector.broadcast %abs3A_363 : f32 to vector<1000x128xf32>
    %select_n3A_366 = arith.select %eq3A_9, %broadcast_in_dim3A_364, %broadcast_in_dim3A_365 : vector<1000x128xi1>, vector<1000x128xf32>
    %broadcast_in_dim3A_367 = vector.broadcast %abs3A_361 : f32 to vector<1000x128xf32>
    %select_n3A_368 = arith.select %eq3A_6, %broadcast_in_dim3A_367, %select_n3A_366 : vector<1000x128xi1>, vector<1000x128xf32>
    %broadcast_in_dim3A_369 = vector.broadcast %abs3A_360 : f32 to vector<1000x128xf32>
    %select_n3A_370 = arith.select %eq3A_3, %broadcast_in_dim3A_369, %select_n3A_368 : vector<1000x128xi1>, vector<1000x128xf32>
    %add3A_371 = arith.constant 1.000000e+00 : f32
    %add3A_372 = vector.broadcast %add3A_371 : f32 to vector<1000x128xf32>
    %add3A_373 = arith.addf %add3A_372, %select_n3A_370 : vector<1000x128xf32>
    %mul3A_374 = arith.mulf %add3A_373, %sub3A : vector<1000x128xf32>
    %exp3A_375 = math.exp %mul3A_374 : vector<1000x128xf32>
    %mul3A_376 = arith.mulf %select_n3A_339, %exp3A_375 : vector<1000x128xf32>
    %mul3A_377 = arith.mulf %mul3A_376, %div3A_33 : vector<1000x128xf32>
    %swap3A_378 = arith.constant 0 : index
    %swap3A_379 = arith.constant 256 : index
    %swap3A_380 = vector.load %arg5[%swap3A_378, %swap3A_379] : memref<1000x512xf32, #tpu.memory_space<vmem>>, vector<1000x128xf32>
    tpu.vector_store %arg5[%swap3A_378, %swap3A_379], %mul3A_377 {strides = array<i32>} : memref<1000x512xf32, #tpu.memory_space<vmem>>, vector<1000x128xf32>,
    %get3A_381 = arith.constant 0 : index
    %get3A_382 = arith.constant 2 : index
    %get3A_383 = arith.constant 0 : index
    %get3A_384 = vector.load %arg4[%get3A_381, %get3A_382, %get3A_383] : memref<4x4x2xf32, #tpu.memory_space<vmem>>, vector<1x1x1xf32>
    %get3A_385 = vector.extract %get3A_384[0, 0, 0] : f32 from vector<1x1x1xf32>
    %get3A_386 = arith.constant 1 : index
    %get3A_387 = arith.constant 2 : index
    %get3A_388 = arith.constant 0 : index
    %get3A_389 = vector.load %arg4[%get3A_386, %get3A_387, %get3A_388] : memref<4x4x2xf32, #tpu.memory_space<vmem>>, vector<1x1x1xf32>
    %get3A_390 = vector.extract %get3A_389[0, 0, 0] : f32 from vector<1x1x1xf32>
    %get3A_391 = arith.constant 2 : index
    %get3A_392 = arith.constant 2 : index
    %get3A_393 = arith.constant 0 : index
    %get3A_394 = vector.load %arg4[%get3A_391, %get3A_392, %get3A_393] : memref<4x4x2xf32, #tpu.memory_space<vmem>>, vector<1x1x1xf32>
    %get3A_395 = vector.extract %get3A_394[0, 0, 0] : f32 from vector<1x1x1xf32>
    %get3A_396 = arith.constant 3 : index
    %get3A_397 = arith.constant 2 : index
    %get3A_398 = arith.constant 0 : index
    %get3A_399 = vector.load %arg4[%get3A_396, %get3A_397, %get3A_398] : memref<4x4x2xf32, #tpu.memory_space<vmem>>, vector<1x1x1xf32>
    %get3A_400 = vector.extract %get3A_399[0, 0, 0] : f32 from vector<1x1x1xf32>
    %broadcast_in_dim3A_401 = vector.broadcast %get3A_395 : f32 to vector<1000x128xf32>
    %broadcast_in_dim3A_402 = vector.broadcast %get3A_400 : f32 to vector<1000x128xf32>
    %select_n3A_403 = arith.select %eq3A_9, %broadcast_in_dim3A_401, %broadcast_in_dim3A_402 : vector<1000x128xi1>, vector<1000x128xf32>
    %broadcast_in_dim3A_404 = vector.broadcast %get3A_390 : f32 to vector<1000x128xf32>
    %select_n3A_405 = arith.select %eq3A_6, %broadcast_in_dim3A_404, %select_n3A_403 : vector<1000x128xi1>, vector<1000x128xf32>
    %broadcast_in_dim3A_406 = vector.broadcast %get3A_385 : f32 to vector<1000x128xf32>
    %select_n3A_407 = arith.select %eq3A_3, %broadcast_in_dim3A_406, %select_n3A_405 : vector<1000x128xi1>, vector<1000x128xf32>
    %get3A_408 = arith.constant 0 : index
    %get3A_409 = arith.constant 2 : index
    %get3A_410 = arith.constant 1 : index
    %get3A_411 = vector.load %arg4[%get3A_408, %get3A_409, %get3A_410] : memref<4x4x2xf32, #tpu.memory_space<vmem>>, vector<1x1x1xf32>
    %get3A_412 = vector.extract %get3A_411[0, 0, 0] : f32 from vector<1x1x1xf32>
    %get3A_413 = arith.constant 1 : index
    %get3A_414 = arith.constant 2 : index
    %get3A_415 = arith.constant 1 : index
    %get3A_416 = vector.load %arg4[%get3A_413, %get3A_414, %get3A_415] : memref<4x4x2xf32, #tpu.memory_space<vmem>>, vector<1x1x1xf32>
    %get3A_417 = vector.extract %get3A_416[0, 0, 0] : f32 from vector<1x1x1xf32>
    %get3A_418 = arith.constant 2 : index
    %get3A_419 = arith.constant 2 : index
    %get3A_420 = arith.constant 1 : index
    %get3A_421 = vector.load %arg4[%get3A_418, %get3A_419, %get3A_420] : memref<4x4x2xf32, #tpu.memory_space<vmem>>, vector<1x1x1xf32>
    %get3A_422 = vector.extract %get3A_421[0, 0, 0] : f32 from vector<1x1x1xf32>
    %get3A_423 = arith.constant 3 : index
    %get3A_424 = arith.constant 2 : index
    %get3A_425 = arith.constant 1 : index
    %get3A_426 = vector.load %arg4[%get3A_423, %get3A_424, %get3A_425] : memref<4x4x2xf32, #tpu.memory_space<vmem>>, vector<1x1x1xf32>
    %get3A_427 = vector.extract %get3A_426[0, 0, 0] : f32 from vector<1x1x1xf32>
    %abs3A_428 = math.absf %get3A_412 : f32
    %abs3A_429 = math.absf %get3A_417 : f32
    %abs3A_430 = math.absf %get3A_422 : f32
    %abs3A_431 = math.absf %get3A_427 : f32
    %broadcast_in_dim3A_432 = vector.broadcast %abs3A_430 : f32 to vector<1000x128xf32>
    %broadcast_in_dim3A_433 = vector.broadcast %abs3A_431 : f32 to vector<1000x128xf32>
    %select_n3A_434 = arith.select %eq3A_9, %broadcast_in_dim3A_432, %broadcast_in_dim3A_433 : vector<1000x128xi1>, vector<1000x128xf32>
    %broadcast_in_dim3A_435 = vector.broadcast %abs3A_429 : f32 to vector<1000x128xf32>
    %select_n3A_436 = arith.select %eq3A_6, %broadcast_in_dim3A_435, %select_n3A_434 : vector<1000x128xi1>, vector<1000x128xf32>
    %broadcast_in_dim3A_437 = vector.broadcast %abs3A_428 : f32 to vector<1000x128xf32>
    %select_n3A_438 = arith.select %eq3A_3, %broadcast_in_dim3A_437, %select_n3A_436 : vector<1000x128xi1>, vector<1000x128xf32>
    %add3A_439 = arith.constant 1.000000e+00 : f32
    %add3A_440 = vector.broadcast %add3A_439 : f32 to vector<1000x128xf32>
    %add3A_441 = arith.addf %add3A_440, %select_n3A_438 : vector<1000x128xf32>
    %mul3A_442 = arith.mulf %add3A_441, %sub3A : vector<1000x128xf32>
    %exp3A_443 = math.exp %mul3A_442 : vector<1000x128xf32>
    %mul3A_444 = arith.mulf %select_n3A_407, %exp3A_443 : vector<1000x128xf32>
    %mul3A_445 = arith.mulf %mul3A_444, %div3A_33 : vector<1000x128xf32>
    %mul3A_446 = arith.constant 1.000000e+00 : f32
    %mul3A_447 = vector.broadcast %mul3A_446 : f32 to vector<1000x128xf32>
    %mul3A_448 = arith.mulf %mul3A_447, %select_n3A_39 : vector<1000x128xf32>
    %add3A_449 = arith.addf %mul3A_445, %mul3A_448 : vector<1000x128xf32>
    %swap3A_450 = arith.constant 0 : index
    %swap3A_451 = arith.constant 256 : index
    %swap3A_452 = vector.load %arg6[%swap3A_450, %swap3A_451] : memref<1000x512xf32, #tpu.memory_space<vmem>>, vector<1000x128xf32>
    tpu.vector_store %arg6[%swap3A_450, %swap3A_451], %add3A_449 {strides = array<i32>} : memref<1000x512xf32, #tpu.memory_space<vmem>>, vector<1000x128xf32>,
    %get3A_453 = arith.constant 0 : index
    %get3A_454 = arith.constant 3 : index
    %get3A_455 = arith.constant 0 : index
    %get3A_456 = vector.load %arg3[%get3A_453, %get3A_454, %get3A_455] : memref<4x4x2xf32, #tpu.memory_space<vmem>>, vector<1x1x1xf32>
    %get3A_457 = vector.extract %get3A_456[0, 0, 0] : f32 from vector<1x1x1xf32>
    %get3A_458 = arith.constant 1 : index
    %get3A_459 = arith.constant 3 : index
    %get3A_460 = arith.constant 0 : index
    %get3A_461 = vector.load %arg3[%get3A_458, %get3A_459, %get3A_460] : memref<4x4x2xf32, #tpu.memory_space<vmem>>, vector<1x1x1xf32>
    %get3A_462 = vector.extract %get3A_461[0, 0, 0] : f32 from vector<1x1x1xf32>
    %get3A_463 = arith.constant 2 : index
    %get3A_464 = arith.constant 3 : index
    %get3A_465 = arith.constant 0 : index
    %get3A_466 = vector.load %arg3[%get3A_463, %get3A_464, %get3A_465] : memref<4x4x2xf32, #tpu.memory_space<vmem>>, vector<1x1x1xf32>
    %get3A_467 = vector.extract %get3A_466[0, 0, 0] : f32 from vector<1x1x1xf32>
    %get3A_468 = arith.constant 3 : index
    %get3A_469 = arith.constant 3 : index
    %get3A_470 = arith.constant 0 : index
    %get3A_471 = vector.load %arg3[%get3A_468, %get3A_469, %get3A_470] : memref<4x4x2xf32, #tpu.memory_space<vmem>>, vector<1x1x1xf32>
    %get3A_472 = vector.extract %get3A_471[0, 0, 0] : f32 from vector<1x1x1xf32>
    %broadcast_in_dim3A_473 = vector.broadcast %get3A_467 : f32 to vector<1000x128xf32>
    %broadcast_in_dim3A_474 = vector.broadcast %get3A_472 : f32 to vector<1000x128xf32>
    %select_n3A_475 = arith.select %eq3A_9, %broadcast_in_dim3A_473, %broadcast_in_dim3A_474 : vector<1000x128xi1>, vector<1000x128xf32>
    %broadcast_in_dim3A_476 = vector.broadcast %get3A_462 : f32 to vector<1000x128xf32>
    %select_n3A_477 = arith.select %eq3A_6, %broadcast_in_dim3A_476, %select_n3A_475 : vector<1000x128xi1>, vector<1000x128xf32>
    %broadcast_in_dim3A_478 = vector.broadcast %get3A_457 : f32 to vector<1000x128xf32>
    %select_n3A_479 = arith.select %eq3A_3, %broadcast_in_dim3A_478, %select_n3A_477 : vector<1000x128xi1>, vector<1000x128xf32>
    %get3A_480 = arith.constant 0 : index
    %get3A_481 = arith.constant 3 : index
    %get3A_482 = arith.constant 1 : index
    %get3A_483 = vector.load %arg3[%get3A_480, %get3A_481, %get3A_482] : memref<4x4x2xf32, #tpu.memory_space<vmem>>, vector<1x1x1xf32>
    %get3A_484 = vector.extract %get3A_483[0, 0, 0] : f32 from vector<1x1x1xf32>
    %get3A_485 = arith.constant 1 : index
    %get3A_486 = arith.constant 3 : index
    %get3A_487 = arith.constant 1 : index
    %get3A_488 = vector.load %arg3[%get3A_485, %get3A_486, %get3A_487] : memref<4x4x2xf32, #tpu.memory_space<vmem>>, vector<1x1x1xf32>
    %get3A_489 = vector.extract %get3A_488[0, 0, 0] : f32 from vector<1x1x1xf32>
    %get3A_490 = arith.constant 2 : index
    %get3A_491 = arith.constant 3 : index
    %get3A_492 = arith.constant 1 : index
    %get3A_493 = vector.load %arg3[%get3A_490, %get3A_491, %get3A_492] : memref<4x4x2xf32, #tpu.memory_space<vmem>>, vector<1x1x1xf32>
    %get3A_494 = vector.extract %get3A_493[0, 0, 0] : f32 from vector<1x1x1xf32>
    %get3A_495 = arith.constant 3 : index
    %get3A_496 = arith.constant 3 : index
    %get3A_497 = arith.constant 1 : index
    %get3A_498 = vector.load %arg3[%get3A_495, %get3A_496, %get3A_497] : memref<4x4x2xf32, #tpu.memory_space<vmem>>, vector<1x1x1xf32>
    %get3A_499 = vector.extract %get3A_498[0, 0, 0] : f32 from vector<1x1x1xf32>
    %abs3A_500 = math.absf %get3A_484 : f32
    %abs3A_501 = math.absf %get3A_489 : f32
    %abs3A_502 = math.absf %get3A_494 : f32
    %abs3A_503 = math.absf %get3A_499 : f32
    %broadcast_in_dim3A_504 = vector.broadcast %abs3A_502 : f32 to vector<1000x128xf32>
    %broadcast_in_dim3A_505 = vector.broadcast %abs3A_503 : f32 to vector<1000x128xf32>
    %select_n3A_506 = arith.select %eq3A_9, %broadcast_in_dim3A_504, %broadcast_in_dim3A_505 : vector<1000x128xi1>, vector<1000x128xf32>
    %broadcast_in_dim3A_507 = vector.broadcast %abs3A_501 : f32 to vector<1000x128xf32>
    %select_n3A_508 = arith.select %eq3A_6, %broadcast_in_dim3A_507, %select_n3A_506 : vector<1000x128xi1>, vector<1000x128xf32>
    %broadcast_in_dim3A_509 = vector.broadcast %abs3A_500 : f32 to vector<1000x128xf32>
    %select_n3A_510 = arith.select %eq3A_3, %broadcast_in_dim3A_509, %select_n3A_508 : vector<1000x128xi1>, vector<1000x128xf32>
    %add3A_511 = arith.constant 1.000000e+00 : f32
    %add3A_512 = vector.broadcast %add3A_511 : f32 to vector<1000x128xf32>
    %add3A_513 = arith.addf %add3A_512, %select_n3A_510 : vector<1000x128xf32>
    %mul3A_514 = arith.mulf %add3A_513, %sub3A : vector<1000x128xf32>
    %exp3A_515 = math.exp %mul3A_514 : vector<1000x128xf32>
    %mul3A_516 = arith.mulf %select_n3A_479, %exp3A_515 : vector<1000x128xf32>
    %mul3A_517 = arith.mulf %mul3A_516, %div3A_33 : vector<1000x128xf32>
    %swap3A_518 = arith.constant 0 : index
    %swap3A_519 = arith.constant 384 : index
    %swap3A_520 = vector.load %arg5[%swap3A_518, %swap3A_519] : memref<1000x512xf32, #tpu.memory_space<vmem>>, vector<1000x128xf32>
    tpu.vector_store %arg5[%swap3A_518, %swap3A_519], %mul3A_517 {strides = array<i32>} : memref<1000x512xf32, #tpu.memory_space<vmem>>, vector<1000x128xf32>,
    %get3A_521 = arith.constant 0 : index
    %get3A_522 = arith.constant 3 : index
    %get3A_523 = arith.constant 0 : index
    %get3A_524 = vector.load %arg4[%get3A_521, %get3A_522, %get3A_523] : memref<4x4x2xf32, #tpu.memory_space<vmem>>, vector<1x1x1xf32>
    %get3A_525 = vector.extract %get3A_524[0, 0, 0] : f32 from vector<1x1x1xf32>
    %get3A_526 = arith.constant 1 : index
    %get3A_527 = arith.constant 3 : index
    %get3A_528 = arith.constant 0 : index
    %get3A_529 = vector.load %arg4[%get3A_526, %get3A_527, %get3A_528] : memref<4x4x2xf32, #tpu.memory_space<vmem>>, vector<1x1x1xf32>
    %get3A_530 = vector.extract %get3A_529[0, 0, 0] : f32 from vector<1x1x1xf32>
    %get3A_531 = arith.constant 2 : index
    %get3A_532 = arith.constant 3 : index
    %get3A_533 = arith.constant 0 : index
    %get3A_534 = vector.load %arg4[%get3A_531, %get3A_532, %get3A_533] : memref<4x4x2xf32, #tpu.memory_space<vmem>>, vector<1x1x1xf32>
    %get3A_535 = vector.extract %get3A_534[0, 0, 0] : f32 from vector<1x1x1xf32>
    %get3A_536 = arith.constant 3 : index
    %get3A_537 = arith.constant 3 : index
    %get3A_538 = arith.constant 0 : index
    %get3A_539 = vector.load %arg4[%get3A_536, %get3A_537, %get3A_538] : memref<4x4x2xf32, #tpu.memory_space<vmem>>, vector<1x1x1xf32>
    %get3A_540 = vector.extract %get3A_539[0, 0, 0] : f32 from vector<1x1x1xf32>
    %broadcast_in_dim3A_541 = vector.broadcast %get3A_535 : f32 to vector<1000x128xf32>
    %broadcast_in_dim3A_542 = vector.broadcast %get3A_540 : f32 to vector<1000x128xf32>
    %select_n3A_543 = arith.select %eq3A_9, %broadcast_in_dim3A_541, %broadcast_in_dim3A_542 : vector<1000x128xi1>, vector<1000x128xf32>
    %broadcast_in_dim3A_544 = vector.broadcast %get3A_530 : f32 to vector<1000x128xf32>
    %select_n3A_545 = arith.select %eq3A_6, %broadcast_in_dim3A_544, %select_n3A_543 : vector<1000x128xi1>, vector<1000x128xf32>
    %broadcast_in_dim3A_546 = vector.broadcast %get3A_525 : f32 to vector<1000x128xf32>
    %select_n3A_547 = arith.select %eq3A_3, %broadcast_in_dim3A_546, %select_n3A_545 : vector<1000x128xi1>, vector<1000x128xf32>
    %get3A_548 = arith.constant 0 : index
    %get3A_549 = arith.constant 3 : index
    %get3A_550 = arith.constant 1 : index
    %get3A_551 = vector.load %arg4[%get3A_548, %get3A_549, %get3A_550] : memref<4x4x2xf32, #tpu.memory_space<vmem>>, vector<1x1x1xf32>
    %get3A_552 = vector.extract %get3A_551[0, 0, 0] : f32 from vector<1x1x1xf32>
    %get3A_553 = arith.constant 1 : index
    %get3A_554 = arith.constant 3 : index
    %get3A_555 = arith.constant 1 : index
    %get3A_556 = vector.load %arg4[%get3A_553, %get3A_554, %get3A_555] : memref<4x4x2xf32, #tpu.memory_space<vmem>>, vector<1x1x1xf32>
    %get3A_557 = vector.extract %get3A_556[0, 0, 0] : f32 from vector<1x1x1xf32>
    %get3A_558 = arith.constant 2 : index
    %get3A_559 = arith.constant 3 : index
    %get3A_560 = arith.constant 1 : index
    %get3A_561 = vector.load %arg4[%get3A_558, %get3A_559, %get3A_560] : memref<4x4x2xf32, #tpu.memory_space<vmem>>, vector<1x1x1xf32>
    %get3A_562 = vector.extract %get3A_561[0, 0, 0] : f32 from vector<1x1x1xf32>
    %get3A_563 = arith.constant 3 : index
    %get3A_564 = arith.constant 3 : index
    %get3A_565 = arith.constant 1 : index
    %get3A_566 = vector.load %arg4[%get3A_563, %get3A_564, %get3A_565] : memref<4x4x2xf32, #tpu.memory_space<vmem>>, vector<1x1x1xf32>
    %get3A_567 = vector.extract %get3A_566[0, 0, 0] : f32 from vector<1x1x1xf32>
    %abs3A_568 = math.absf %get3A_552 : f32
    %abs3A_569 = math.absf %get3A_557 : f32
    %abs3A_570 = math.absf %get3A_562 : f32
    %abs3A_571 = math.absf %get3A_567 : f32
    %broadcast_in_dim3A_572 = vector.broadcast %abs3A_570 : f32 to vector<1000x128xf32>
    %broadcast_in_dim3A_573 = vector.broadcast %abs3A_571 : f32 to vector<1000x128xf32>
    %select_n3A_574 = arith.select %eq3A_9, %broadcast_in_dim3A_572, %broadcast_in_dim3A_573 : vector<1000x128xi1>, vector<1000x128xf32>
    %broadcast_in_dim3A_575 = vector.broadcast %abs3A_569 : f32 to vector<1000x128xf32>
    %select_n3A_576 = arith.select %eq3A_6, %broadcast_in_dim3A_575, %select_n3A_574 : vector<1000x128xi1>, vector<1000x128xf32>
    %broadcast_in_dim3A_577 = vector.broadcast %abs3A_568 : f32 to vector<1000x128xf32>
    %select_n3A_578 = arith.select %eq3A_3, %broadcast_in_dim3A_577, %select_n3A_576 : vector<1000x128xi1>, vector<1000x128xf32>
    %add3A_579 = arith.constant 1.000000e+00 : f32
    %add3A_580 = vector.broadcast %add3A_579 : f32 to vector<1000x128xf32>
    %add3A_581 = arith.addf %add3A_580, %select_n3A_578 : vector<1000x128xf32>
    %mul3A_582 = arith.mulf %add3A_581, %sub3A : vector<1000x128xf32>
    %exp3A_583 = math.exp %mul3A_582 : vector<1000x128xf32>
    %mul3A_584 = arith.mulf %select_n3A_547, %exp3A_583 : vector<1000x128xf32>
    %mul3A_585 = arith.mulf %mul3A_584, %div3A_33 : vector<1000x128xf32>
    %mul3A_586 = arith.constant 1.000000e+00 : f32
    %mul3A_587 = vector.broadcast %mul3A_586 : f32 to vector<1000x128xf32>
    %mul3A_588 = arith.mulf %mul3A_587, %select_n3A_39 : vector<1000x128xf32>
    %add3A_589 = arith.addf %mul3A_585, %mul3A_588 : vector<1000x128xf32>
    %swap3A_590 = arith.constant 0 : index
    %swap3A_591 = arith.constant 384 : index
    %swap3A_592 = vector.load %arg6[%swap3A_590, %swap3A_591] : memref<1000x512xf32, #tpu.memory_space<vmem>>, vector<1000x128xf32>
    tpu.vector_store %arg6[%swap3A_590, %swap3A_591], %add3A_589 {strides = array<i32>} : memref<1000x512xf32, #tpu.memory_space<vmem>>, vector<1000x128xf32>,
    return
  }
  func.func @transform_0(%arg0: i32) -> (i32, i32) {
    %c0_i32 = arith.constant 0 : i32
    %c0_i32_0 = arith.constant 0 : i32
    return %arg0, %c0_i32 : i32, i32
  }
  func.func @transform_1(%arg0: i32) -> (i32, i32) {
    %c0_i32 = arith.constant 0 : i32
    %c0_i32_0 = arith.constant 0 : i32
    return %arg0, %c0_i32 : i32, i32
  }
  func.func @transform_2(%arg0: i32) -> (i32, i32, i32) {
    %c0_i32 = arith.constant 0 : i32
    %c0_i32_0 = arith.constant 0 : i32
    %c0_i32_1 = arith.constant 0 : i32
    %c0_i32_2 = arith.constant 0 : i32
    return %c0_i32, %c0_i32_0, %c0_i32_1 : i32, i32, i32
  }
  func.func @transform_3(%arg0: i32) -> (i32, i32, i32) {
    %c0_i32 = arith.constant 0 : i32
    %c0_i32_0 = arith.constant 0 : i32
    %c0_i32_1 = arith.constant 0 : i32
    %c0_i32_2 = arith.constant 0 : i32
    return %c0_i32, %c0_i32_0, %c0_i32_1 : i32, i32, i32
  }
  func.func @transform_4(%arg0: i32) -> (i32, i32) {
    %c0_i32 = arith.constant 0 : i32
    %c0_i32_0 = arith.constant 0 : i32
    return %arg0, %c0_i32 : i32, i32
  }
  func.func @transform_5(%arg0: i32) -> (i32, i32) {
    %c0_i32 = arith.constant 0 : i32
    %c0_i32_0 = arith.constant 0 : i32
    return %arg0, %c0_i32 : i32, i32
  }
}

</mosaic_0001>

<sc_bundles>
// kernel: kernel.5.cloned.1.call-start
scs
__scs_entry_jumppad:
0x0: {  	(pc) =	sbr.rel $0x88, $3  }
0x1: {  	(tag) =	ssettag $0x0;
	lr =	simm.s32 $0x1  }
0x2: {  	[smem:$0x3F9B] =	sst lr;
	_ =	strace $0xD0000000  }
0x3: {  	_ = 	snop  }
0x4: {  	_ = 	snop  }
0x5: {  	_ = 	snop  }
0x6: {  	_ = 	snop  }
0x7: {  	_ = 	snop  }
__scs_overlays_trampoline_lowered:
0x8: {  	[smem:$0x3FAA] =	sst s0  }
0x9: {  	[smem:$0x3FAB] =	sst s1  }
0xa: {  	[smem:$0x3FAC] =	sst s2  }
0xb: {  	[smem:$0x3FAD] =	sst s3  }
0xc: {  	[smem:$0x3FAE] =	sst s4  }
0xd: {  	[smem:$0x3FAF] =	sst s5  }
0xe: {  	[smem:$0x3FB0] =	sst s6  }
0xf: {  	[smem:$0x3FB1] =	sst s7  }
0x10: {  	[smem:$0x3FB2] =	sst s8  }
0x11: {  	[smem:$0x3FB3] =	sst s9;
	s0 =	simm.s32 @!p0 $0x0  }
0x12: {  	s1 =	sld [smem:$0x3F99];
	s0 =	simm.s32 @p0 $0x1  }
0x13: {  	[smem:$0x3FB4] =	sst s0;
	s0 =	simm.s32 @!p1 $0x0  }
0x14: {  	s2 =	sld [smem:$0x3F98];
	s0 =	simm.s32 @p1 $0x1  }
0x15: {  	[smem:$0x3FB5] =	sst s0;
	s0 =	simm.s32 @!p2 $0x0  }
0x16: {  	s3 =	sld [smem:$0x3FDB];
	s0 =	simm.s32 @p2 $0x1  }
0x17: {  	s4 =	simm.s32 $0x1BF5;
	[smem:$0x3FB7] =	sst s0  }
0x18: {  	s0 =	sld [smem:$0x3F9A];
	_ =	swait.ge [sflag:s4], $0x0  }
0x19: {  	s7 =	sld [smem:$0x3F9B]  }
0x1a: {  	s8 =	sadd.s32 $0xFFFFE003, lr  }
0x1b: {  	s9 =	sadd.s32 $0xFFFFFEF7, lr;
	s5 =	simm.s32 $0xFFFFFFFF;
	p2 =	slt.u32 s8, $0xFFFFF086  }
0x1c: {  	p1 =	slt.u32 s9, $0xF7A;
	s5 =	simm.s32 @!p2 $0x0  }
0x1d: {  	s5 =	simm.s32 @p1 $0x1;
	p0 =	seq.s32 s7, s2  }
0x1e: {  	s7 =	smul.u32 @!p0 $0xF7A, s2;
	p2 =	seq.s32 @!p0 s5, $0x0  }
0x1f: {  	s9 =	smul.u32 $0xF7A, s1;
	s8 =	simm.s32 @!p0 $0x1BF5;
	p2 =	por !p2, p0  }
0x20: {  	[sflag:s8] =	ssyncset.s32 @!p0 $0xFFFFF086;
	s6 =	sadd.s32 @!p0 s3, s7;
	s7 =	simm.s32 @!p0 $0x108  }
0x21: {  	s3 =	sadd.s32 s3, s9;
	s6 =	sadd.s32 @!p0 $0x88, s6;
	s7 =	simm.s32 @p2 $0x1082  }
0x22: {  	[simem:s7], [sflag:s8] =	dma.local @!p0 [hbm:s6], $0xF7A  }
0x23: {  	s9 =	sor.u32 $0xD0000000, s2;
	s6 =	simm.s32 $0x108;
	_ =	swait.ge @!p0 [sflag:s8], $0x0  }
0x24: {  	s3 =	sadd.s32 $0x88, s3;
	s6 =	simm.s32 @!p1 $0x1082;
	[sflag:s4] =	ssyncset.s32 $0xFFFFF086  }
0x25: {  	[simem:s6], [sflag:s4] =	dma.local [hbm:s3], $0xF7A  }
0x26: {  	[smem:$0x3F9B] =	sst s1;
	(tag) =	ssettag s2;
	_ =	strace s9  }
0x27: {  	s1 =	sld [smem:$0x3FAB]  }
0x28: {  	s2 =	sld [smem:$0x3FAC]  }
0x29: {  	s4 =	sld [smem:$0x3FAE]  }
0x2a: {  	p0 =	seq.s32 s5, $0x0;
	s5 =	sld [smem:$0x3FAF]  }
0x2b: {  	s6 =	sld [smem:$0x3FB0]  }
0x2c: {  	s7 =	sld [smem:$0x3FB1]  }
0x2d: {  	s3 =	simm.s32 $0x108;
	s8 =	sld [smem:$0x3FB2]  }
0x2e: {  	s3 =	simm.s32 @!p0 $0x1082;
	s9 =	sld [smem:$0x3FB3]  }
0x2f: {  	lr =	sadd.s32 s0, s3;
	s0 =	sld [smem:$0x3FAA]  }
0x30: {  	s3 =	sld [smem:$0x3FAD]  }
0x31: {  	[smem:$0x3FB6] =	sst s10  }
0x32: {  	s10 =	sld [smem:$0x3FB4];
	_ =	sdelay $0x3  }
0x33: {  	p0 =	seq.s32 s10, $0x1;
	s10 =	sld [smem:$0x3FB6];
	_ =	sdelay $0x3  }
0x34: {  	[smem:$0x3FB6] =	sst s10  }
0x35: {  	s10 =	sld [smem:$0x3FB5];
	_ =	sdelay $0x3  }
0x36: {  	p1 =	seq.s32 s10, $0x1;
	s10 =	sld [smem:$0x3FB6];
	_ =	sdelay $0x3  }
0x37: {  	[smem:$0x3FB6] =	sst s10  }
0x38: {  	s10 =	sld [smem:$0x3FB7]  }
0x39: {  	_ = 	snop;
	(pc) =	sbr.ind lr, $3  }
0x3a: {  	_ = 	snop  }
0x3b: {  	_ = 	snop  }
0x3c: {  	p2 =	seq.s32 s10, $0x1;
	s10 =	sld [smem:$0x3FB6]  }
0x3d: {  	_ =	shalt  }
0x3e: {  	_ =	shalt  }
0x3f: {  	_ =	shalt  }
0x40: {  	_ =	shalt  }
0x41: {  	_ =	shalt  }
0x42: {  	_ =	shalt  }
0x43: {  	_ =	shalt  }
0x44: {  	_ =	shalt  }
0x45: {  	_ =	shalt  }
0x46: {  	_ =	shalt  }
0x47: {  	_ =	shalt  }
0x48: {  	_ =	shalt  }
0x49: {  	_ =	shalt  }
0x4a: {  	_ =	shalt  }
0x4b: {  	_ =	shalt  }
0x4c: {  	_ =	shalt  }
0x4d: {  	_ =	shalt  }
0x4e: {  	_ =	shalt  }
0x4f: {  	_ =	shalt  }
0x50: {  	_ =	shalt  }
0x51: {  	_ =	shalt  }
0x52: {  	_ =	shalt  }
0x53: {  	_ =	shalt  }
0x54: {  	_ =	shalt  }
0x55: {  	_ =	shalt  }
0x56: {  	_ =	shalt  }
0x57: {  	_ =	shalt  }
0x58: {  	_ =	shalt  }
0x59: {  	_ =	shalt  }
0x5a: {  	_ =	shalt  }
0x5b: {  	_ =	shalt  }
0x5c: {  	_ =	shalt  }
0x5d: {  	_ =	shalt  }
0x5e: {  	_ =	shalt  }
0x5f: {  	_ =	shalt  }
0x60: {  	_ =	shalt  }
0x61: {  	_ =	shalt  }
0x62: {  	_ =	shalt  }
0x63: {  	_ =	shalt  }
0x64: {  	_ =	shalt  }
0x65: {  	_ =	shalt  }
0x66: {  	_ =	shalt  }
0x67: {  	_ =	shalt  }
0x68: {  	_ =	shalt  }
0x69: {  	_ =	shalt  }
0x6a: {  	_ =	shalt  }
0x6b: {  	_ =	shalt  }
0x6c: {  	_ =	shalt  }
0x6d: {  	_ =	shalt  }
0x6e: {  	_ =	shalt  }
0x6f: {  	_ =	shalt  }
0x70: {  	_ =	shalt  }
0x71: {  	_ =	shalt  }
0x72: {  	_ =	shalt  }
0x73: {  	_ =	shalt  }
0x74: {  	_ =	shalt  }
0x75: {  	_ =	shalt  }
0x76: {  	_ =	shalt  }
0x77: {  	_ =	shalt  }
0x78: {  	_ =	shalt  }
0x79: {  	_ =	shalt  }
0x7a: {  	_ =	shalt  }
0x7b: {  	_ =	shalt  }
0x7c: {  	_ =	shalt  }
0x7d: {  	_ =	shalt  }
0x7e: {  	_ =	shalt  }
0x7f: {  	_ =	shalt  }
0x80: {  	_ =	shalt  }
0x81: {  	_ =	shalt  }
0x82: {  	_ =	shalt  }
0x83: {  	_ =	shalt  }
0x84: {  	_ =	shalt  }
0x85: {  	_ =	shalt  }
0x86: {  	_ =	shalt  }
0x87: {  	_ =	shalt  }
.Lfunc_end0:
.L_simem_size_0:
called_computation_lowered:
.L_overlay_start_0:
0x88: {  	s2 =	sld [smem:$0x3FD9]  }
0x89: {  	s3 =	sld [smem:$0x3FFE];
	_ =	sdelay $0x1  }
0x8a: {  	s1 =	srdreg.scid  }
0x8b: {  	s0 =	sand.u32 $0x1, s1  }
0x8c: {  	s15 =	sshll.u32 s0, $0xA;
	s2 =	sadd.s32 s3, s2  }
0x8d: {  	s2 =	sadd.s32 s2, s15  }
0x8e: {  	[smem:$0x3FC2] =	sst s2  }
0x8f: {  	_ = 	snop  }
0x90: {  	s2 =	sld [smem:$0x3FD0];
	_ =	sdelay $0x1  }
0x91: {  	s16 =	sld [smem:$0x3FC9]  }
0x92: {  	s5 =	simm.s32 $0xA;
	s6 =	simm.s32 $0x10;
	s4 =	sld [smem:$0x3FC8]  }
0x93: {  	[smem:s6], [sflag:s5] =	dma.local [hbm:s2], $0x1  }
0x94: {  	_ =	swait.eq [sflag:s5], $0x1  }
0x95: {  	[sflag:s5] =	ssyncset.done $0x0  }
0x96: {  	[sflag:s5] =	ssyncadd.s32 $0xFFFFFFFF  }
0x97: {  	s17 =	sld [smem:$0x10];
	(tm) =	ssettm $0x1  }
0x98: {  	s18 =	sld [smem:$0x3FFB];
	_ =	sdelay $0x3  }
0x99: {  	_ =	strace s18  }
0x9a: {  	s5 =	sld [smem:$0x3FFC];
	_ =	sdelay $0x3  }
0x9b: {  	_ =	strace s5  }
0x9c: {  	s5 =	sld [smem:$0x3FFD];
	_ =	sdelay $0x3  }
0x9d: {  	_ =	strace s5  }
0x9e: {  	_ =	strace $0x8FFFFFFF  }
0x9f: {  	s19 =	sld [smem:$0x3FDB];
	_ =	sdelay $0x1  }
0xa0: {  	s20 =	simm.s32 $_scs_section_size  }
0xa1: {  	s7 =	simm.s32 $_size__tile_overlayer_lowered;
	s8 =	simm.s32 $_tile_overlayer_lowered  }
0xa2: {  	s23 =	simm.s32 $0x1BFF;
	s22 =	sshll.u32 s8, $0x1;
	s5 =	sadd.s32 s20, s19  }
0xa3: {  	s9 =	simm.s32 $0x0;
	s21 =	sshll.u32 s7, $0x1;
	s7 =	sadd.s32 s22, s5  }
0xa4: {  	[timem:s9], [sflag:s23] =	dma.local [hbm:s7], s21  }
0xa5: {  	_ =	swait.ge [sflag:s23], s21  }
0xa6: {  	s6 =	ssub.s32 $0x0, s21;
	[sflag:s23] =	ssyncset.done $0x0  }
0xa7: {  	[sflag:s23] =	ssyncadd.s32 s6;
	_ =	sdelay $0x1  }
0xa8: {  	s24 =	simm.s32 $0x1B8B  }
0xa9: {  	_ =	swait.ge [sflag:s24], $0x1  }
0xaa: {  	[sflag:s24] =	ssyncset.done $0x0  }
0xab: {  	s25 =	simm.s32 $0x1B8E;
	[sflag:s24] =	ssyncadd.s32 $0xFFFFFFFF  }
0xac: {  	s26 =	simm.s32 $execute0_lowered;
	[smem:$0x3FD2] =	sst s25  }
0xad: {  	s6 =	sshll.u32 s26, $0x1;
	_ =	strace $0x80000046;
	[dreg:$0x1] =	wrdreg $0xFFFFFFFF  }
0xae: {  	s28 =	simm.s32 $_size_execute0_lowered;
	s5 =	sadd.s32 s5, s6;
	[dreg:$0x0] =	wrdreg $0x0  }
0xaf: {  	s6 =	sshll.u32 s28, $0x1;
	[dreg:$0x2] =	wrdreg s5  }
0xb0: {  	[dreg:$0x3] =	wrdreg s6  }
0xb1: {  	[dreg:$0x4] =	wrdreg $0xC0  }
0xb2: {  	_ =	task [dreg:s9], $0x5FFFF  }
0xb3: {  	[dreg:$0x1] =	wrdreg $0xFFFFFFFF  }
0xb4: {  	[dreg:$0x0] =	wrdreg $0x60  }
0xb5: {  	[dreg:$0x2] =	wrdreg s16  }
0xb6: {  	[dreg:$0x3] =	wrdreg s4  }
0xb7: {  	[dreg:$0x4] =	wrdreg s17  }
0xb8: {  	[dreg:$0x5] =	wrdreg $0x9  }
0xb9: {  	_ =	task.clear_ibuf [dreg:s9], $0x6FFFF;
	_ =	strace $0x90000046  }
0xba: {  	s29 =	simm.s32 $0x9;
	_ =	strace $0x80000048  }
0xbb: {  	_ =	swait.ge [sflag:s29], $0x1  }
0xbc: {  	[sflag:s29] =	ssyncadd.s32 $0xFFFFFFFF  }
0xbd: {  	_ =	strace $0x90000048  }
0xbe: {  	_ =	sfence  }
0xbf: {  	s30 =	sld [smem:$0x0];
	_ =	sdelay $0x2  }
0xc0: {  	s31 =	sshll.u32 s1, $0xD;
	s1 =	sshrl.u32 s1, $0x2  }
0xc1: {  	s3 =	sand.u32 $0x4000, s31;
	s1 =	sadd.s32 s1, s30  }
0xc2: {  	s0 =	sor.u32 s3, s0;
	s1 =	sshll.u32 s1, $0x11  }
0xc3: {  	s0 =	sor.u32 s1, s0  }
0xc4: {  	s0 =	sadd.s32 $0x8F2B, s0  }
0xc5: {  	[sflag:s0] =	ssyncadd.remote.s32 $0x1  }
0xc6: {  	_ =	sfence.sel $0xFFFF  }
0xc7: {  	[dreg:$0x0] =	wrdreg $0xFFFFFFFF;
	(pc) =	sbr.abs _section_cstart, $3  }
0xc8: {  	[dreg:$0x1] =	wrdreg $0xFFFFFFFF  }
0xc9: {  	_ =	task.clear_ibuf [dreg:s9], $0x2FFFF;
	_ =	strace $0x9FFFFFFF  }
0xca: {  	(tm) =	ssettm $0x7FFFFFFF  }
0xcb: {  	_ =	shalt  }
tec
execute0_lowered:
.L_overlay_start_1:
0x0: {  	(tag) =	ssettag $0x1  }
0x1: {  	s1 =	rddreg [dreg:$0x0]  }
0x2: {  	s2 =	srdreg.scid;
	s0 =	stileid.u32  }
0x3: {  	s3 =	rddreg [dreg:$0x1];
	s6 =	sand.u32 $0x1, s2;
	s31 =	sshll.u32 s0, $0x1  }
0x4: {  	s4 =	rddreg [dreg:$0x2];
	s7 =	sor.u32 s6, s31  }
0x5: {  	s5 =	simm.s32 $0x0;
	s10 =	simm.s32 $0x18700;
	s7 =	smul.u32 $0x3E8, s7  }
.Ltmp0:
0x6: {  	s11 =	simm.s32 $0x1A000;
	s2 =	rddreg [dreg:$0x3];
	(pc) =	sbr.rel .LBB2_1-.Ltmp0, $4  }
0x7: {  	s12 =	simm.s32 $0x0;
	[smem:$0x7FF] =	sst s5;
	s6 =	ssub.s32 $0x2, s6  }
0x8: {  	_ =	strace $0x80000047;
	s8 =	sshrl.u32 s6, $0x1;
	s9 =	sadd.s32 $0x3E8, s7  }
0x9: {  	s8 =	ssub.s32 s6, s8;
	s6 =	sshrl.u32 s7, $0x5;
	s7 =	sshrl.u32 s9, $0x5  }
0xa: {  	s8 =	smax.u32 s8, $0x1;
	s9 =	simm.s32 $0x1;
	p0 =	sge.u32 s6, s7  }
.LBB2_5:
0xb: {  	s12 =	sadd.s32 $0x1, s12  }
0xc: {  	p1 =	sne.s32 s12, s8  }
.Ltmp1:
0xd: {  	_ = 	snop;
	(pc) =	sbr.rel @!p1 .LBB2_6-.Ltmp1, $1  }
0xe: {  	_ =	sdelay $0x3  }
.LBB2_1:
.Ltmp2:
0xf: {  	(pc) =	sbr.rel @p0 .LBB2_5-.Ltmp2, $4  }
0x10: {  	[tilespmem:s5], [sflag:$0x1] =	stream.linear.gather [hbm4b:s1+s5], $0x18700, $0x38;
	[tilespmem:$0x1AC80] =	vst v63  }
0x11: {  	_ =	swait.ge [sflag:s9], $0x18700  }
0x12: {  	[sflag:s9] =	ssyncset.done $0x0  }
0x13: {  	s13 =	smov.u32 s6;
	[sflag:s9] =	ssyncadd.s32 $0xFFFE7900  }
.LBB2_2:
0x14: {  	s14 =	smul.u32 $0x320, s13;
	_ =	sdelay $0x1  }
0x15: {  	s15 =	simm.s32 $0x0;
	s14 =	sadd.s32 s3, s14  }
0x16: {  	[tilespmem:s10], [sflag:$0x1] =	stream.linear.gather [hbm4b:s14+s15], $0x1900, $0x38;
	[tilespmem:$0x1AC80] =	vst v63  }
0x17: {  	_ =	swait.ge [sflag:s9], $0x1900  }
0x18: {  	s31 =	sand.u32 $0x1F00, s15;
	s15 =	sand.u32 $0x70, s15;
	[sflag:s9] =	ssyncset.done $0x0  }
0x19: {  	s14 =	sor.u32 s15, s31;
	[sflag:s9] =	ssyncadd.s32 $0xFFFFE700  }
0x1a: {  	s15 =	sadd.s32 $0x18700, s14;
	v0 =	vld [tilespmem:s14+$0x18700]  }
0x1b: {  	v1 =	vld [tilespmem:s15+$0x80];
	_ =	sdelay $0x6  }
0x1c: {  	v0 =	vld.idx.msk [tilespmem:v0+s5+$0x0], $0xffff  }
0x1d: {  	v1 =	vld.idx.msk [tilespmem:v1+s5+$0x0], $0xffff;
	_ =	sdelay $0x2  }
0x1e: {  	s16 =	simm.s32 $0x20  }
0x1f: {  	s17 =	sand.u32 $0x1F00, s16;
	s15 =	simm.s32 $0x10;
	v0 =	vshll.u32 v0, $0x1  }
0x20: {  	s16 =	simm.s32 $0x40;
	s14 =	simm.s32 $0x1A000;
	s18 =	sand.u32 $0x70, s15;
	v0 =	vadd.s32 v1, v0  }
.LBB2_3:
0x21: {  	p1 =	sne.s32 s16, $0x18E0;
	s17 =	sor.u32 s18, s17;
	[tilespmem:s14+$0x0] =	vst v0  }
0x22: {  	s18 =	sadd.s32 $0x18700, s17;
	v0 =	vld [tilespmem:s17+$0x18700]  }
0x23: {  	v1 =	vld [tilespmem:s18+$0x80];
	_ =	sdelay $0x6  }
0x24: {  	v0 =	vld.idx.msk [tilespmem:v0+s5+$0x0], $0xffff  }
0x25: {  	v1 =	vld.idx.msk [tilespmem:v1+s5+$0x0], $0xffff;
	_ =	sdelay $0x1  }
.Ltmp3:
0x26: {  	(pc) =	sbr.rel @p1 .LBB2_3-.Ltmp3, $3  }
0x27: {  	_ =	sdelay $0x1  }
0x28: {  	s15 =	sadd.s32 $0x10, s15;
	s14 =	sadd.s32 $0x10, s14;
	v0 =	vshll.u32 v0, $0x1  }
0x29: {  	s17 =	sand.u32 $0x1F00, s16;
	s16 =	sadd.s32 $0x20, s16;
	s18 =	sand.u32 $0x70, s15;
	v0 =	vadd.s32 v1, v0  }
0x2a: {  	s15 =	sor.u32 s18, s17;
	[tilespmem:s14+$0x0] =	vst v0  }
0x2b: {  	s16 =	sadd.s32 $0x18700, s15;
	v0 =	vld [tilespmem:s15+$0x18700]  }
0x2c: {  	v1 =	vld [tilespmem:s16+$0x80];
	_ =	sdelay $0x6  }
0x2d: {  	v0 =	vld.idx.msk [tilespmem:v0+s5+$0x0], $0xffff  }
0x2e: {  	v1 =	vld.idx.msk [tilespmem:v1+s5+$0x0], $0xffff;
	_ =	sdelay $0x3  }
0x2f: {  	s29 =	smul.u32 $0x190, s13;
	v0 =	vshll.u32 v0, $0x1  }
0x30: {  	s30 =	sadd.s32 $0x10, s14;
	s13 =	sadd.s32 $0x1, s13;
	v0 =	vadd.s32 v1, v0  }
0x31: {  	p1 =	slt.u32 s13, s7;
	s31 =	sadd.s32 s4, s29;
	[tilespmem:s30+$0x0] =	vst v0  }
0x32: {  	[hbm4b:s31+s5] =	stream.linear.scatter [tilespmem:s11], [sflag:$0x1], $0xC80, $0x38;
	[tilespmem:$0x1AC80] =	vst v63  }
.Ltmp4:
0x33: {  	_ = 	snop;
	(pc) =	sbr.rel @p1 .LBB2_2-.Ltmp4, $4  }
.Ltmp5:
0x34: {  	_ = 	snop;
	(pc) =	sbr.rel @!p1 .LBB2_5-.Ltmp5, $4  }
0x35: {  	_ =	swait.ge [sflag:s9], $0xC80  }
0x36: {  	[sflag:s9] =	ssyncset.done $0x0  }
0x37: {  	[sflag:s9] =	ssyncadd.s32 $0xFFFFF380  }
0x38: {  	_ = 	snop  }
.LBB2_6:
0x39: {  	_ =	sfence.sel $0x180000  }
0x3a: {  	[bflag:$0x0] =	sbarrier.arrive $0xFFFF  }
0x3b: {  	p0 =	sne.s32 s0, $0x0;
	_ =	strace $0x90000047  }
0x3c: {  	s0 =	sadd.s32 @!p0 $0x100000, s2;
	[bflag:$0x2] =	sbarrier.arrive $0xFFFF  }
0x3d: {  	[sflag:s0] =	ssyncadd.tile.s32 @!p0 $0x1;
	_ =	shalt  }
.Lfunc_end2:
_tile_overlayer_lowered:
.L_overlay_start_2:
0x3e: {  	(tag) =	ssettag $0x2  }
0x3f: {  	s0 =	rddreg [dreg:$0x0];
	s2 =	stileid.u32  }
0x40: {  	s1 =	rddreg [dreg:$0x1];
	p0 =	sne.s32 s2, $0x0  }
0x41: {  	s3 =	rddreg [dreg:$0x2];
	[bflag:$0x3] =	sbarrier.arrive $0xFFFF;
	s2 =	simm.s32 @!p0 $0x1C01  }
0x42: {  	[timem:s3], [sflag:s2] =	dma.local @!p0 [hbm:s0], s1  }
0x43: {  	s0 =	simm.s32 @!p0 $0x1  }
0x44: {  	_ =	swait.ge @!p0 [sflag:s0], s1  }
0x45: {  	s1 =	ssub.s32 @!p0 $0x0, s1;
	[sflag:s0] =	ssyncset.done @!p0 $0x0  }
0x46: {  	[sflag:s0] =	ssyncadd.s32 @!p0 s1  }
0x47: {  	[bflag:$0x3] =	sbarrier.arrive $0xFFFF  }
0x48: {  	_ =	shalt  }

</sc_bundles>
